<compile_context>
chip_gen: v7x
topology: tpu7x:2x2x1
jax: 0.10.2.dev20260603
libtpu: 0.0.44.dev20260713+nightly
codegen_flags: <defaults>
</compile_context>

<pallas_src>
import functools

import jax
import jax.numpy as jnp
from jax import lax
from jax.experimental import pallas as pl
from jax.experimental.pallas import tpu as pltpu
from jax.experimental.pallas import tpu_sc as plsc

BATCH = 16384
N_FIELDS = 26
TOTAL = BATCH * N_FIELDS
NUM_WORKERS = 32
COLS_PER_W = BATCH // NUM_WORKERS
PER_W = COLS_PER_W * N_FIELDS
LANES = 16
COL_VECS = COLS_PER_W // LANES
N_CHUNKS = 8
CHUNK = PER_W // N_CHUNKS
CVECS = CHUNK // LANES


def _sc_body(fv_hbm, idx_hbm, table_hbm, out_hbm,
             idx_v, idx1d, w_v, fv_v, out_v, gsems, osem):
    c = lax.axis_index("c")
    s = lax.axis_index("s")
    wid = s * 2 + c
    col0 = wid * COLS_PER_W
    pltpu.sync_copy(idx_hbm.at[:, pl.ds(col0, COLS_PER_W)], idx_v)

    def flat_body(t):
        j = t // COL_VECS
        ii = (t - j * COL_VECS) * LANES
        idx1d[pl.ds(t * LANES, LANES)] = idx_v[j, pl.ds(ii, LANES)]

    def fire(k):
        return pltpu.async_copy(
            table_hbm.at[idx1d.at[pl.ds(k * CHUNK, CHUNK)]],
            w_v.at[pl.ds(k * CHUNK, CHUNK)],
            gsems.at[k],
        )

    plsc.parallel_loop(0, CVECS, 1, unroll=8)(flat_body)
    gathers = [fire(0)]
    plsc.parallel_loop(CVECS, PER_W // LANES, 1, unroll=8)(flat_body)
    gathers += [fire(k) for k in range(1, N_CHUNKS)]
    pltpu.sync_copy(fv_hbm.at[:, pl.ds(col0, COLS_PER_W)], fv_v)

    for k in range(N_CHUNKS):
        gathers[k].wait()

        def mul_body(t):
            m = k * CVECS + t
            j = m // COL_VECS
            ii = (m - j * COL_VECS) * LANES
            out_v[j, pl.ds(ii, LANES)] = (
                w_v[pl.ds(m * LANES, LANES)] * fv_v[j, pl.ds(ii, LANES)])

        plsc.parallel_loop(0, CVECS, 1, unroll=8)(mul_body)

    pltpu.async_copy(out_v, out_hbm.at[:, pl.ds(col0, COLS_PER_W)],
                     osem).wait()


@jax.jit
def kernel(feature_values, feature_idx, weights_first_order):
    fvT = feature_values.T
    idxT = feature_idx.T.astype(jnp.int32)
    one = lax.optimization_barrier(jnp.float32(1.0))
    table = (weights_first_order * one).T.reshape(1000000)
    mesh = plsc.VectorSubcoreMesh(core_axis_name="c", subcore_axis_name="s")
    run = functools.partial(
        pl.kernel,
        mesh=mesh,
        out_type=jax.ShapeDtypeStruct((N_FIELDS, BATCH), jnp.float32),
        scratch_types=[
            pltpu.VMEM((N_FIELDS, COLS_PER_W), jnp.int32),
            pltpu.VMEM((PER_W,), jnp.int32),
            pltpu.VMEM((PER_W,), jnp.float32),
            pltpu.VMEM((N_FIELDS, COLS_PER_W), jnp.float32),
            pltpu.VMEM((N_FIELDS, COLS_PER_W), jnp.float32),
            pltpu.SemaphoreType.DMA((N_CHUNKS,)),
            pltpu.SemaphoreType.DMA,
        ],
    )(_sc_body)
    out = run(fvT, idxT, table)
    return out.T

# --- scband reference (transcript-rebuilt; emitter-appended) ---
"""Pipeline reference for scband-first-order-17557826306742 (READ-ONLY COPY).

The authoritative reference and input builder live on the scoring server;
editing this copy changes nothing except your own understanding.
"""

import jax, jax.numpy as jnp
import numpy as np

FEATURE_SIZE = 1000000
BATCH = 16384
N_FIELDS = 26

def setup_inputs(seed: int = 0) -> dict:
    key = jax.random.key(seed)
    k1, k2, k3 = jax.random.split(key, 3)
    feature_values = jax.random.uniform(k1, (BATCH, N_FIELDS), dtype=jnp.float32)
    feature_idx = jax.random.randint(k2, (BATCH, N_FIELDS), 0, FEATURE_SIZE, dtype=jnp.int64)
    weights_first_order = jax.random.normal(k3, (FEATURE_SIZE, 1), dtype=jnp.float32)
    return {"feature_values": feature_values, "feature_idx": feature_idx, "weights_first_order": weights_first_order}

def reference(feature_values, feature_idx, weights_first_order):
    # weights_first_order[feature_idx, :] -> gather rows, shape [B, F, 1]
    w = jnp.take(weights_first_order, feature_idx, axis=0)
    # squeeze trailing dim and elementwise multiply
    first_order = feature_values * jnp.squeeze(w, axis=-1)
    return first_order

if __name__ == "__main__":
    import jax
    _d = setup_inputs()
    print(jax.jit(kernel)(*tuple(_d.values())))

</pallas_src>

<mosaic_0001>
#map = affine_map<(d0, d1) -> (0, 0)>
#map1 = affine_map<(d0, d1) -> (0)>
module attributes {stable_mosaic.version = 14 : i64} {
  func.func @_sc_body(%arg0: i32, %arg1: i32, %arg2: memref<26x16384xf32, #tpu.memory_space<hbm>>, %arg3: memref<26x16384xi32, #tpu.memory_space<hbm>>, %arg4: memref<1000000xf32, #tpu.memory_space<hbm>>, %arg5: memref<26x16384xf32, #tpu.memory_space<hbm>>, %arg6: memref<26x512xi32, #tpu.memory_space<vmem>>, %arg7: memref<13312xi32, #tpu.memory_space<vmem>>, %arg8: memref<13312xf32, #tpu.memory_space<vmem>>, %arg9: memref<26x512xf32, #tpu.memory_space<vmem>>, %arg10: memref<26x512xf32, #tpu.memory_space<vmem>>, %arg11: memref<8x!tpu.dma_semaphore, #tpu.memory_space<semaphore_mem>>, %arg12: memref<!tpu.dma_semaphore, #tpu.memory_space<semaphore_mem>>) attributes {dimension_semantics = [#tpu.dimension_semantics<core_parallel>, #tpu.dimension_semantics<subcore_parallel>], iteration_bounds = array<i64: 2, 16>, scalar_prefetch = 0 : i64, scratch_operands = 7 : i64, tpu.core_type = #tpu.core_type<sc_vector_subcore>, window_params = [{transform_indices = #map}, {transform_indices = #map}, {transform_indices = #map1}, {transform_indices = #map}]} {
    %mul3A = arith.constant 2 : i32
    %mul3A_0 = arith.muli %arg1, %mul3A : i32
    %add3A = arith.addi %mul3A_0, %arg0 : i32
    %mul3A_1 = arith.constant 512 : i32
    %mul3A_2 = arith.muli %add3A, %mul3A_1 : i32
    "tpu.region"() ({
      %run_scoped3A = tpu.sem_alloc : memref<!tpu.dma_semaphore, #tpu.memory_space<semaphore_mem>>
      %dma_start3A_182 = arith.constant 0 : i32
      %dma_start3A_183 = tpu.memref_slice %arg3[%dma_start3A_182, %mul3A_2] : memref<26x16384xi32, #tpu.memory_space<hbm>> -> memref<26x512xi32, #tpu.memory_space<hbm>>
      %dma_start3A_184 = arith.constant 0 : i32
      %dma_start3A_185 = tpu.memref_slice %arg3[%dma_start3A_184, %mul3A_2] : memref<26x16384xi32, #tpu.memory_space<hbm>> -> memref<26x512xi32, #tpu.memory_space<hbm>>
      tpu.enqueue_dma source(%dma_start3A_185 : memref<26x512xi32, #tpu.memory_space<hbm>>) target(%arg6 : memref<26x512xi32, #tpu.memory_space<vmem>>) target_semaphore(%run_scoped3A : memref<!tpu.dma_semaphore, #tpu.memory_space<semaphore_mem>>)
      %dma_wait3A_186 = arith.constant 0 : i32
      %dma_wait3A_187 = tpu.memref_slice %arg3[%dma_wait3A_186, %mul3A_2] : memref<26x16384xi32, #tpu.memory_space<hbm>> -> memref<26x512xi32, #tpu.memory_space<hbm>>
      %dma_wait3A_188 = arith.constant 0 : i32
      %dma_wait3A_189 = tpu.memref_slice %arg3[%dma_wait3A_188, %mul3A_2] : memref<26x16384xi32, #tpu.memory_space<hbm>> -> memref<26x512xi32, #tpu.memory_space<hbm>>
      tpu.wait_dma2 semaphore(%run_scoped3A : memref<!tpu.dma_semaphore, #tpu.memory_space<semaphore_mem>>) src(%dma_wait3A_189 : memref<26x512xi32, #tpu.memory_space<hbm>>) dst(%arg6 : memref<26x512xi32, #tpu.memory_space<vmem>>)
      tpu.yield
    }) : () -> ()
    %parallel_loop3A = arith.constant 0 : i32
    %parallel_loop3A_3 = arith.constant 104 : i32
    %parallel_loop3A_4 = arith.constant 1 : i32
    scf.for %parallel_loop3A_182 = %parallel_loop3A to %parallel_loop3A_3 step %parallel_loop3A_4  : i32 {
      %parallel_loop3A_183 = arith.constant 32 : i32
      %parallel_loop3A_184 = arith.divsi %parallel_loop3A_182, %parallel_loop3A_183 : i32
      %parallel_loop3A_185 = arith.constant 0 : i32
      %parallel_loop3A_186 = arith.cmpi sgt, %parallel_loop3A_182, %parallel_loop3A_185 : i32
      %parallel_loop3A_187 = arith.extui %parallel_loop3A_186 : i1 to i32
      %parallel_loop3A_188 = arith.constant 0 : i32
      %parallel_loop3A_189 = arith.cmpi slt, %parallel_loop3A_182, %parallel_loop3A_188 : i32
      %parallel_loop3A_190 = arith.extui %parallel_loop3A_189 : i1 to i32
      %parallel_loop3A_191 = arith.subi %parallel_loop3A_187, %parallel_loop3A_190 : i32
      %parallel_loop3A_192 = arith.constant 0 : i32
      %parallel_loop3A_193 = arith.cmpi sgt, %parallel_loop3A_183, %parallel_loop3A_192 : i32
      %parallel_loop3A_194 = arith.extui %parallel_loop3A_193 : i1 to i32
      %parallel_loop3A_195 = arith.constant 0 : i32
      %parallel_loop3A_196 = arith.cmpi slt, %parallel_loop3A_183, %parallel_loop3A_195 : i32
      %parallel_loop3A_197 = arith.extui %parallel_loop3A_196 : i1 to i32
      %parallel_loop3A_198 = arith.subi %parallel_loop3A_194, %parallel_loop3A_197 : i32
      %parallel_loop3A_199 = arith.cmpi ne, %parallel_loop3A_191, %parallel_loop3A_198 : i32
      %parallel_loop3A_200 = arith.remsi %parallel_loop3A_182, %parallel_loop3A_183 : i32
      %parallel_loop3A_201 = arith.constant 0 : i32
      %parallel_loop3A_202 = arith.cmpi ne, %parallel_loop3A_200, %parallel_loop3A_201 : i32
      %parallel_loop3A_203 = arith.andi %parallel_loop3A_199, %parallel_loop3A_202 : i1
      %parallel_loop3A_204 = arith.constant 1 : i32
      %parallel_loop3A_205 = arith.subi %parallel_loop3A_184, %parallel_loop3A_204 : i32
      %parallel_loop3A_206 = arith.select %parallel_loop3A_203, %parallel_loop3A_205, %parallel_loop3A_184 : i32
      %parallel_loop3A_207 = arith.constant 32 : i32
      %parallel_loop3A_208 = arith.muli %parallel_loop3A_206, %parallel_loop3A_207 : i32
      %parallel_loop3A_209 = arith.subi %parallel_loop3A_182, %parallel_loop3A_208 : i32
      %parallel_loop3A_210 = arith.constant 16 : i32
      %parallel_loop3A_211 = arith.muli %parallel_loop3A_209, %parallel_loop3A_210 : i32
      %parallel_loop3A_212 = arith.index_cast %parallel_loop3A_206 : i32 to index
      %parallel_loop3A_213 = arith.index_cast %parallel_loop3A_211 : i32 to index
      %parallel_loop3A_214 = tpu.vector_load %arg6[%parallel_loop3A_212, %parallel_loop3A_213] {strides = array<i32>} : memref<26x512xi32, #tpu.memory_space<vmem>>, vector<1x16xi32>,
      %parallel_loop3A_215 = vector.shape_cast %parallel_loop3A_214 : vector<1x16xi32> to vector<16xi32>
      %parallel_loop3A_216 = arith.constant 16 : i32
      %parallel_loop3A_217 = arith.muli %parallel_loop3A_182, %parallel_loop3A_216 : i32
      %parallel_loop3A_218 = arith.index_cast %parallel_loop3A_217 : i32 to index
      %parallel_loop3A_219 = tpu.vector_load %arg7[%parallel_loop3A_218] {strides = array<i32>} : memref<13312xi32, #tpu.memory_space<vmem>>, vector<16xi32>,
      %parallel_loop3A_220 = vector.shape_cast %parallel_loop3A_219 : vector<16xi32> to vector<16xi32>
      %parallel_loop3A_221 = vector.shape_cast %parallel_loop3A_215 : vector<16xi32> to vector<16xi32>
      tpu.vector_store %arg7[%parallel_loop3A_218], %parallel_loop3A_221 {strides = array<i32>} : memref<13312xi32, #tpu.memory_space<vmem>>, vector<16xi32>,
    } {sc.loop_unroll_factor = 8 : i64, sc.parallel_access}
    %dma_start3A = arith.constant 0 : i32
    %dma_start3A_5 = arith.constant 0 : i32
    %dma_start3A_6 = tpu.memref_slice %arg8[%dma_start3A_5] : memref<13312xf32, #tpu.memory_space<vmem>> -> memref<1664xf32, #tpu.memory_space<vmem>>
    %dma_start3A_7 = arith.constant 0 : i32
    %dma_start3A_8 = tpu.memref_slice %arg7[%dma_start3A_7] : memref<13312xi32, #tpu.memory_space<vmem>> -> memref<1664xi32, #tpu.memory_space<vmem>>
    %dma_start3A_9 = arith.constant 0 : i32
    %dma_start3A_10 = tpu.memref_slice %arg4[%dma_start3A_9] : memref<1000000xf32, #tpu.memory_space<hbm>> -> memref<1000000xf32, #tpu.memory_space<hbm>>
    %dma_start3A_11 = tpu.memref_slice %arg11[%dma_start3A] : memref<8x!tpu.dma_semaphore, #tpu.memory_space<semaphore_mem>> -> memref<1x!tpu.dma_semaphore, #tpu.memory_space<semaphore_mem>>
    %dma_start3A_12 = tpu.memref_squeeze %dma_start3A_11 : memref<1x!tpu.dma_semaphore, #tpu.memory_space<semaphore_mem>> -> memref<!tpu.dma_semaphore, #tpu.memory_space<semaphore_mem>>
    tpu.enqueue_indirect_dma source(%dma_start3A_10 : memref<1000000xf32, #tpu.memory_space<hbm>>) target(%dma_start3A_6 : memref<1664xf32, #tpu.memory_space<vmem>>) offsets(%dma_start3A_8 : memref<1664xi32, #tpu.memory_space<vmem>>) semaphore(%dma_start3A_12 : memref<!tpu.dma_semaphore, #tpu.memory_space<semaphore_mem>>)
    %parallel_loop3A_13 = arith.constant 104 : i32
    %parallel_loop3A_14 = arith.constant 832 : i32
    %parallel_loop3A_15 = arith.constant 1 : i32
    scf.for %parallel_loop3A_182 = %parallel_loop3A_13 to %parallel_loop3A_14 step %parallel_loop3A_15  : i32 {
      %parallel_loop3A_183 = arith.constant 32 : i32
      %parallel_loop3A_184 = arith.divsi %parallel_loop3A_182, %parallel_loop3A_183 : i32
      %parallel_loop3A_185 = arith.constant 0 : i32
      %parallel_loop3A_186 = arith.cmpi sgt, %parallel_loop3A_182, %parallel_loop3A_185 : i32
      %parallel_loop3A_187 = arith.extui %parallel_loop3A_186 : i1 to i32
      %parallel_loop3A_188 = arith.constant 0 : i32
      %parallel_loop3A_189 = arith.cmpi slt, %parallel_loop3A_182, %parallel_loop3A_188 : i32
      %parallel_loop3A_190 = arith.extui %parallel_loop3A_189 : i1 to i32
      %parallel_loop3A_191 = arith.subi %parallel_loop3A_187, %parallel_loop3A_190 : i32
      %parallel_loop3A_192 = arith.constant 0 : i32
      %parallel_loop3A_193 = arith.cmpi sgt, %parallel_loop3A_183, %parallel_loop3A_192 : i32
      %parallel_loop3A_194 = arith.extui %parallel_loop3A_193 : i1 to i32
      %parallel_loop3A_195 = arith.constant 0 : i32
      %parallel_loop3A_196 = arith.cmpi slt, %parallel_loop3A_183, %parallel_loop3A_195 : i32
      %parallel_loop3A_197 = arith.extui %parallel_loop3A_196 : i1 to i32
      %parallel_loop3A_198 = arith.subi %parallel_loop3A_194, %parallel_loop3A_197 : i32
      %parallel_loop3A_199 = arith.cmpi ne, %parallel_loop3A_191, %parallel_loop3A_198 : i32
      %parallel_loop3A_200 = arith.remsi %parallel_loop3A_182, %parallel_loop3A_183 : i32
      %parallel_loop3A_201 = arith.constant 0 : i32
      %parallel_loop3A_202 = arith.cmpi ne, %parallel_loop3A_200, %parallel_loop3A_201 : i32
      %parallel_loop3A_203 = arith.andi %parallel_loop3A_199, %parallel_loop3A_202 : i1
      %parallel_loop3A_204 = arith.constant 1 : i32
      %parallel_loop3A_205 = arith.subi %parallel_loop3A_184, %parallel_loop3A_204 : i32
      %parallel_loop3A_206 = arith.select %parallel_loop3A_203, %parallel_loop3A_205, %parallel_loop3A_184 : i32
      %parallel_loop3A_207 = arith.constant 32 : i32
      %parallel_loop3A_208 = arith.muli %parallel_loop3A_206, %parallel_loop3A_207 : i32
      %parallel_loop3A_209 = arith.subi %parallel_loop3A_182, %parallel_loop3A_208 : i32
      %parallel_loop3A_210 = arith.constant 16 : i32
      %parallel_loop3A_211 = arith.muli %parallel_loop3A_209, %parallel_loop3A_210 : i32
      %parallel_loop3A_212 = arith.index_cast %parallel_loop3A_206 : i32 to index
      %parallel_loop3A_213 = arith.index_cast %parallel_loop3A_211 : i32 to index
      %parallel_loop3A_214 = tpu.vector_load %arg6[%parallel_loop3A_212, %parallel_loop3A_213] {strides = array<i32>} : memref<26x512xi32, #tpu.memory_space<vmem>>, vector<1x16xi32>,
      %parallel_loop3A_215 = vector.shape_cast %parallel_loop3A_214 : vector<1x16xi32> to vector<16xi32>
      %parallel_loop3A_216 = arith.constant 16 : i32
      %parallel_loop3A_217 = arith.muli %parallel_loop3A_182, %parallel_loop3A_216 : i32
      %parallel_loop3A_218 = arith.index_cast %parallel_loop3A_217 : i32 to index
      %parallel_loop3A_219 = tpu.vector_load %arg7[%parallel_loop3A_218] {strides = array<i32>} : memref<13312xi32, #tpu.memory_space<vmem>>, vector<16xi32>,
      %parallel_loop3A_220 = vector.shape_cast %parallel_loop3A_219 : vector<16xi32> to vector<16xi32>
      %parallel_loop3A_221 = vector.shape_cast %parallel_loop3A_215 : vector<16xi32> to vector<16xi32>
      tpu.vector_store %arg7[%parallel_loop3A_218], %parallel_loop3A_221 {strides = array<i32>} : memref<13312xi32, #tpu.memory_space<vmem>>, vector<16xi32>,
    } {sc.loop_unroll_factor = 8 : i64, sc.parallel_access}
    %dma_start3A_16 = arith.constant 1 : i32
    %dma_start3A_17 = arith.constant 1664 : i32
    %dma_start3A_18 = tpu.memref_slice %arg8[%dma_start3A_17] : memref<13312xf32, #tpu.memory_space<vmem>> -> memref<1664xf32, #tpu.memory_space<vmem>>
    %dma_start3A_19 = arith.constant 1664 : i32
    %dma_start3A_20 = tpu.memref_slice %arg7[%dma_start3A_19] : memref<13312xi32, #tpu.memory_space<vmem>> -> memref<1664xi32, #tpu.memory_space<vmem>>
    %dma_start3A_21 = arith.constant 0 : i32
    %dma_start3A_22 = tpu.memref_slice %arg4[%dma_start3A_21] : memref<1000000xf32, #tpu.memory_space<hbm>> -> memref<1000000xf32, #tpu.memory_space<hbm>>
    %dma_start3A_23 = tpu.memref_slice %arg11[%dma_start3A_16] : memref<8x!tpu.dma_semaphore, #tpu.memory_space<semaphore_mem>> -> memref<1x!tpu.dma_semaphore, #tpu.memory_space<semaphore_mem>>
    %dma_start3A_24 = tpu.memref_squeeze %dma_start3A_23 : memref<1x!tpu.dma_semaphore, #tpu.memory_space<semaphore_mem>> -> memref<!tpu.dma_semaphore, #tpu.memory_space<semaphore_mem>>
    tpu.enqueue_indirect_dma source(%dma_start3A_22 : memref<1000000xf32, #tpu.memory_space<hbm>>) target(%dma_start3A_18 : memref<1664xf32, #tpu.memory_space<vmem>>) offsets(%dma_start3A_20 : memref<1664xi32, #tpu.memory_space<vmem>>) semaphore(%dma_start3A_24 : memref<!tpu.dma_semaphore, #tpu.memory_space<semaphore_mem>>)
    %dma_start3A_25 = arith.constant 2 : i32
    %dma_start3A_26 = arith.constant 3328 : i32
    %dma_start3A_27 = tpu.memref_slice %arg8[%dma_start3A_26] : memref<13312xf32, #tpu.memory_space<vmem>> -> memref<1664xf32, #tpu.memory_space<vmem>>
    %dma_start3A_28 = arith.constant 3328 : i32
    %dma_start3A_29 = tpu.memref_slice %arg7[%dma_start3A_28] : memref<13312xi32, #tpu.memory_space<vmem>> -> memref<1664xi32, #tpu.memory_space<vmem>>
    %dma_start3A_30 = arith.constant 0 : i32
    %dma_start3A_31 = tpu.memref_slice %arg4[%dma_start3A_30] : memref<1000000xf32, #tpu.memory_space<hbm>> -> memref<1000000xf32, #tpu.memory_space<hbm>>
    %dma_start3A_32 = tpu.memref_slice %arg11[%dma_start3A_25] : memref<8x!tpu.dma_semaphore, #tpu.memory_space<semaphore_mem>> -> memref<1x!tpu.dma_semaphore, #tpu.memory_space<semaphore_mem>>
    %dma_start3A_33 = tpu.memref_squeeze %dma_start3A_32 : memref<1x!tpu.dma_semaphore, #tpu.memory_space<semaphore_mem>> -> memref<!tpu.dma_semaphore, #tpu.memory_space<semaphore_mem>>
    tpu.enqueue_indirect_dma source(%dma_start3A_31 : memref<1000000xf32, #tpu.memory_space<hbm>>) target(%dma_start3A_27 : memref<1664xf32, #tpu.memory_space<vmem>>) offsets(%dma_start3A_29 : memref<1664xi32, #tpu.memory_space<vmem>>) semaphore(%dma_start3A_33 : memref<!tpu.dma_semaphore, #tpu.memory_space<semaphore_mem>>)
    %dma_start3A_34 = arith.constant 3 : i32
    %dma_start3A_35 = arith.constant 4992 : i32
    %dma_start3A_36 = tpu.memref_slice %arg8[%dma_start3A_35] : memref<13312xf32, #tpu.memory_space<vmem>> -> memref<1664xf32, #tpu.memory_space<vmem>>
    %dma_start3A_37 = arith.constant 4992 : i32
    %dma_start3A_38 = tpu.memref_slice %arg7[%dma_start3A_37] : memref<13312xi32, #tpu.memory_space<vmem>> -> memref<1664xi32, #tpu.memory_space<vmem>>
    %dma_start3A_39 = arith.constant 0 : i32
    %dma_start3A_40 = tpu.memref_slice %arg4[%dma_start3A_39] : memref<1000000xf32, #tpu.memory_space<hbm>> -> memref<1000000xf32, #tpu.memory_space<hbm>>
    %dma_start3A_41 = tpu.memref_slice %arg11[%dma_start3A_34] : memref<8x!tpu.dma_semaphore, #tpu.memory_space<semaphore_mem>> -> memref<1x!tpu.dma_semaphore, #tpu.memory_space<semaphore_mem>>
    %dma_start3A_42 = tpu.memref_squeeze %dma_start3A_41 : memref<1x!tpu.dma_semaphore, #tpu.memory_space<semaphore_mem>> -> memref<!tpu.dma_semaphore, #tpu.memory_space<semaphore_mem>>
    tpu.enqueue_indirect_dma source(%dma_start3A_40 : memref<1000000xf32, #tpu.memory_space<hbm>>) target(%dma_start3A_36 : memref<1664xf32, #tpu.memory_space<vmem>>) offsets(%dma_start3A_38 : memref<1664xi32, #tpu.memory_space<vmem>>) semaphore(%dma_start3A_42 : memref<!tpu.dma_semaphore, #tpu.memory_space<semaphore_mem>>)
    %dma_start3A_43 = arith.constant 4 : i32
    %dma_start3A_44 = arith.constant 6656 : i32
    %dma_start3A_45 = tpu.memref_slice %arg8[%dma_start3A_44] : memref<13312xf32, #tpu.memory_space<vmem>> -> memref<1664xf32, #tpu.memory_space<vmem>>
    %dma_start3A_46 = arith.constant 6656 : i32
    %dma_start3A_47 = tpu.memref_slice %arg7[%dma_start3A_46] : memref<13312xi32, #tpu.memory_space<vmem>> -> memref<1664xi32, #tpu.memory_space<vmem>>
    %dma_start3A_48 = arith.constant 0 : i32
    %dma_start3A_49 = tpu.memref_slice %arg4[%dma_start3A_48] : memref<1000000xf32, #tpu.memory_space<hbm>> -> memref<1000000xf32, #tpu.memory_space<hbm>>
    %dma_start3A_50 = tpu.memref_slice %arg11[%dma_start3A_43] : memref<8x!tpu.dma_semaphore, #tpu.memory_space<semaphore_mem>> -> memref<1x!tpu.dma_semaphore, #tpu.memory_space<semaphore_mem>>
    %dma_start3A_51 = tpu.memref_squeeze %dma_start3A_50 : memref<1x!tpu.dma_semaphore, #tpu.memory_space<semaphore_mem>> -> memref<!tpu.dma_semaphore, #tpu.memory_space<semaphore_mem>>
    tpu.enqueue_indirect_dma source(%dma_start3A_49 : memref<1000000xf32, #tpu.memory_space<hbm>>) target(%dma_start3A_45 : memref<1664xf32, #tpu.memory_space<vmem>>) offsets(%dma_start3A_47 : memref<1664xi32, #tpu.memory_space<vmem>>) semaphore(%dma_start3A_51 : memref<!tpu.dma_semaphore, #tpu.memory_space<semaphore_mem>>)
    %dma_start3A_52 = arith.constant 5 : i32
    %dma_start3A_53 = arith.constant 8320 : i32
    %dma_start3A_54 = tpu.memref_slice %arg8[%dma_start3A_53] : memref<13312xf32, #tpu.memory_space<vmem>> -> memref<1664xf32, #tpu.memory_space<vmem>>
    %dma_start3A_55 = arith.constant 8320 : i32
    %dma_start3A_56 = tpu.memref_slice %arg7[%dma_start3A_55] : memref<13312xi32, #tpu.memory_space<vmem>> -> memref<1664xi32, #tpu.memory_space<vmem>>
    %dma_start3A_57 = arith.constant 0 : i32
    %dma_start3A_58 = tpu.memref_slice %arg4[%dma_start3A_57] : memref<1000000xf32, #tpu.memory_space<hbm>> -> memref<1000000xf32, #tpu.memory_space<hbm>>
    %dma_start3A_59 = tpu.memref_slice %arg11[%dma_start3A_52] : memref<8x!tpu.dma_semaphore, #tpu.memory_space<semaphore_mem>> -> memref<1x!tpu.dma_semaphore, #tpu.memory_space<semaphore_mem>>
    %dma_start3A_60 = tpu.memref_squeeze %dma_start3A_59 : memref<1x!tpu.dma_semaphore, #tpu.memory_space<semaphore_mem>> -> memref<!tpu.dma_semaphore, #tpu.memory_space<semaphore_mem>>
    tpu.enqueue_indirect_dma source(%dma_start3A_58 : memref<1000000xf32, #tpu.memory_space<hbm>>) target(%dma_start3A_54 : memref<1664xf32, #tpu.memory_space<vmem>>) offsets(%dma_start3A_56 : memref<1664xi32, #tpu.memory_space<vmem>>) semaphore(%dma_start3A_60 : memref<!tpu.dma_semaphore, #tpu.memory_space<semaphore_mem>>)
    %dma_start3A_61 = arith.constant 6 : i32
    %dma_start3A_62 = arith.constant 9984 : i32
    %dma_start3A_63 = tpu.memref_slice %arg8[%dma_start3A_62] : memref<13312xf32, #tpu.memory_space<vmem>> -> memref<1664xf32, #tpu.memory_space<vmem>>
    %dma_start3A_64 = arith.constant 9984 : i32
    %dma_start3A_65 = tpu.memref_slice %arg7[%dma_start3A_64] : memref<13312xi32, #tpu.memory_space<vmem>> -> memref<1664xi32, #tpu.memory_space<vmem>>
    %dma_start3A_66 = arith.constant 0 : i32
    %dma_start3A_67 = tpu.memref_slice %arg4[%dma_start3A_66] : memref<1000000xf32, #tpu.memory_space<hbm>> -> memref<1000000xf32, #tpu.memory_space<hbm>>
    %dma_start3A_68 = tpu.memref_slice %arg11[%dma_start3A_61] : memref<8x!tpu.dma_semaphore, #tpu.memory_space<semaphore_mem>> -> memref<1x!tpu.dma_semaphore, #tpu.memory_space<semaphore_mem>>
    %dma_start3A_69 = tpu.memref_squeeze %dma_start3A_68 : memref<1x!tpu.dma_semaphore, #tpu.memory_space<semaphore_mem>> -> memref<!tpu.dma_semaphore, #tpu.memory_space<semaphore_mem>>
    tpu.enqueue_indirect_dma source(%dma_start3A_67 : memref<1000000xf32, #tpu.memory_space<hbm>>) target(%dma_start3A_63 : memref<1664xf32, #tpu.memory_space<vmem>>) offsets(%dma_start3A_65 : memref<1664xi32, #tpu.memory_space<vmem>>) semaphore(%dma_start3A_69 : memref<!tpu.dma_semaphore, #tpu.memory_space<semaphore_mem>>)
    %dma_start3A_70 = arith.constant 7 : i32
    %dma_start3A_71 = arith.constant 11648 : i32
    %dma_start3A_72 = tpu.memref_slice %arg8[%dma_start3A_71] : memref<13312xf32, #tpu.memory_space<vmem>> -> memref<1664xf32, #tpu.memory_space<vmem>>
    %dma_start3A_73 = arith.constant 11648 : i32
    %dma_start3A_74 = tpu.memref_slice %arg7[%dma_start3A_73] : memref<13312xi32, #tpu.memory_space<vmem>> -> memref<1664xi32, #tpu.memory_space<vmem>>
    %dma_start3A_75 = arith.constant 0 : i32
    %dma_start3A_76 = tpu.memref_slice %arg4[%dma_start3A_75] : memref<1000000xf32, #tpu.memory_space<hbm>> -> memref<1000000xf32, #tpu.memory_space<hbm>>
    %dma_start3A_77 = tpu.memref_slice %arg11[%dma_start3A_70] : memref<8x!tpu.dma_semaphore, #tpu.memory_space<semaphore_mem>> -> memref<1x!tpu.dma_semaphore, #tpu.memory_space<semaphore_mem>>
    %dma_start3A_78 = tpu.memref_squeeze %dma_start3A_77 : memref<1x!tpu.dma_semaphore, #tpu.memory_space<semaphore_mem>> -> memref<!tpu.dma_semaphore, #tpu.memory_space<semaphore_mem>>
    tpu.enqueue_indirect_dma source(%dma_start3A_76 : memref<1000000xf32, #tpu.memory_space<hbm>>) target(%dma_start3A_72 : memref<1664xf32, #tpu.memory_space<vmem>>) offsets(%dma_start3A_74 : memref<1664xi32, #tpu.memory_space<vmem>>) semaphore(%dma_start3A_78 : memref<!tpu.dma_semaphore, #tpu.memory_space<semaphore_mem>>)
    "tpu.region"() ({
      %run_scoped3A = tpu.sem_alloc : memref<!tpu.dma_semaphore, #tpu.memory_space<semaphore_mem>>
      %dma_start3A_182 = arith.constant 0 : i32
      %dma_start3A_183 = tpu.memref_slice %arg2[%dma_start3A_182, %mul3A_2] : memref<26x16384xf32, #tpu.memory_space<hbm>> -> memref<26x512xf32, #tpu.memory_space<hbm>>
      %dma_start3A_184 = arith.constant 0 : i32
      %dma_start3A_185 = tpu.memref_slice %arg2[%dma_start3A_184, %mul3A_2] : memref<26x16384xf32, #tpu.memory_space<hbm>> -> memref<26x512xf32, #tpu.memory_space<hbm>>
      tpu.enqueue_dma source(%dma_start3A_185 : memref<26x512xf32, #tpu.memory_space<hbm>>) target(%arg9 : memref<26x512xf32, #tpu.memory_space<vmem>>) target_semaphore(%run_scoped3A : memref<!tpu.dma_semaphore, #tpu.memory_space<semaphore_mem>>)
      %dma_wait3A_186 = arith.constant 0 : i32
      %dma_wait3A_187 = tpu.memref_slice %arg2[%dma_wait3A_186, %mul3A_2] : memref<26x16384xf32, #tpu.memory_space<hbm>> -> memref<26x512xf32, #tpu.memory_space<hbm>>
      %dma_wait3A_188 = arith.constant 0 : i32
      %dma_wait3A_189 = tpu.memref_slice %arg2[%dma_wait3A_188, %mul3A_2] : memref<26x16384xf32, #tpu.memory_space<hbm>> -> memref<26x512xf32, #tpu.memory_space<hbm>>
      tpu.wait_dma2 semaphore(%run_scoped3A : memref<!tpu.dma_semaphore, #tpu.memory_space<semaphore_mem>>) src(%dma_wait3A_189 : memref<26x512xf32, #tpu.memory_space<hbm>>) dst(%arg9 : memref<26x512xf32, #tpu.memory_space<vmem>>)
      tpu.yield
    }) : () -> ()
    %dma_wait3A = arith.constant 0 : i32
    %dma_wait3A_79 = arith.constant 0 : i32
    %dma_wait3A_80 = tpu.memref_slice %arg8[%dma_wait3A_79] : memref<13312xf32, #tpu.memory_space<vmem>> -> memref<1664xf32, #tpu.memory_space<vmem>>
    %dma_wait3A_81 = arith.constant 0 : i32
    %dma_wait3A_82 = tpu.memref_slice %arg7[%dma_wait3A_81] : memref<13312xi32, #tpu.memory_space<vmem>> -> memref<1664xi32, #tpu.memory_space<vmem>>
    %dma_wait3A_83 = arith.constant 0 : i32
    %dma_wait3A_84 = tpu.memref_slice %arg4[%dma_wait3A_83] : memref<1000000xf32, #tpu.memory_space<hbm>> -> memref<1000000xf32, #tpu.memory_space<hbm>>
    %dma_wait3A_85 = tpu.memref_slice %arg11[%dma_wait3A] : memref<8x!tpu.dma_semaphore, #tpu.memory_space<semaphore_mem>> -> memref<1x!tpu.dma_semaphore, #tpu.memory_space<semaphore_mem>>
    %dma_wait3A_86 = tpu.memref_squeeze %dma_wait3A_85 : memref<1x!tpu.dma_semaphore, #tpu.memory_space<semaphore_mem>> -> memref<!tpu.dma_semaphore, #tpu.memory_space<semaphore_mem>>
    tpu.wait_indirect_dma semaphore(%dma_wait3A_86 : memref<!tpu.dma_semaphore, #tpu.memory_space<semaphore_mem>>) src(%dma_wait3A_84 : memref<1000000xf32, #tpu.memory_space<hbm>>) dst(%dma_wait3A_80 : memref<1664xf32, #tpu.memory_space<vmem>>)
    %parallel_loop3A_87 = arith.constant 0 : i32
    %parallel_loop3A_88 = arith.constant 104 : i32
    %parallel_loop3A_89 = arith.constant 1 : i32
    scf.for %parallel_loop3A_182 = %parallel_loop3A_87 to %parallel_loop3A_88 step %parallel_loop3A_89  : i32 {
      %parallel_loop3A_183 = arith.constant 0 : i32
      %parallel_loop3A_184 = arith.addi %parallel_loop3A_183, %parallel_loop3A_182 : i32
      %parallel_loop3A_185 = arith.constant 32 : i32
      %parallel_loop3A_186 = arith.divsi %parallel_loop3A_184, %parallel_loop3A_185 : i32
      %parallel_loop3A_187 = arith.constant 0 : i32
      %parallel_loop3A_188 = arith.cmpi sgt, %parallel_loop3A_184, %parallel_loop3A_187 : i32
      %parallel_loop3A_189 = arith.extui %parallel_loop3A_188 : i1 to i32
      %parallel_loop3A_190 = arith.constant 0 : i32
      %parallel_loop3A_191 = arith.cmpi slt, %parallel_loop3A_184, %parallel_loop3A_190 : i32
      %parallel_loop3A_192 = arith.extui %parallel_loop3A_191 : i1 to i32
      %parallel_loop3A_193 = arith.subi %parallel_loop3A_189, %parallel_loop3A_192 : i32
      %parallel_loop3A_194 = arith.constant 0 : i32
      %parallel_loop3A_195 = arith.cmpi sgt, %parallel_loop3A_185, %parallel_loop3A_194 : i32
      %parallel_loop3A_196 = arith.extui %parallel_loop3A_195 : i1 to i32
      %parallel_loop3A_197 = arith.constant 0 : i32
      %parallel_loop3A_198 = arith.cmpi slt, %parallel_loop3A_185, %parallel_loop3A_197 : i32
      %parallel_loop3A_199 = arith.extui %parallel_loop3A_198 : i1 to i32
      %parallel_loop3A_200 = arith.subi %parallel_loop3A_196, %parallel_loop3A_199 : i32
      %parallel_loop3A_201 = arith.cmpi ne, %parallel_loop3A_193, %parallel_loop3A_200 : i32
      %parallel_loop3A_202 = arith.remsi %parallel_loop3A_184, %parallel_loop3A_185 : i32
      %parallel_loop3A_203 = arith.constant 0 : i32
      %parallel_loop3A_204 = arith.cmpi ne, %parallel_loop3A_202, %parallel_loop3A_203 : i32
      %parallel_loop3A_205 = arith.andi %parallel_loop3A_201, %parallel_loop3A_204 : i1
      %parallel_loop3A_206 = arith.constant 1 : i32
      %parallel_loop3A_207 = arith.subi %parallel_loop3A_186, %parallel_loop3A_206 : i32
      %parallel_loop3A_208 = arith.select %parallel_loop3A_205, %parallel_loop3A_207, %parallel_loop3A_186 : i32
      %parallel_loop3A_209 = arith.constant 32 : i32
      %parallel_loop3A_210 = arith.muli %parallel_loop3A_208, %parallel_loop3A_209 : i32
      %parallel_loop3A_211 = arith.subi %parallel_loop3A_184, %parallel_loop3A_210 : i32
      %parallel_loop3A_212 = arith.constant 16 : i32
      %parallel_loop3A_213 = arith.muli %parallel_loop3A_211, %parallel_loop3A_212 : i32
      %parallel_loop3A_214 = arith.constant 16 : i32
      %parallel_loop3A_215 = arith.muli %parallel_loop3A_184, %parallel_loop3A_214 : i32
      %parallel_loop3A_216 = arith.index_cast %parallel_loop3A_215 : i32 to index
      %parallel_loop3A_217 = tpu.vector_load %arg8[%parallel_loop3A_216] {strides = array<i32>} : memref<13312xf32, #tpu.memory_space<vmem>>, vector<16xf32>,
      %parallel_loop3A_218 = vector.shape_cast %parallel_loop3A_217 : vector<16xf32> to vector<16xf32>
      %parallel_loop3A_219 = arith.index_cast %parallel_loop3A_208 : i32 to index
      %parallel_loop3A_220 = arith.index_cast %parallel_loop3A_213 : i32 to index
      %parallel_loop3A_221 = tpu.vector_load %arg9[%parallel_loop3A_219, %parallel_loop3A_220] {strides = array<i32>} : memref<26x512xf32, #tpu.memory_space<vmem>>, vector<1x16xf32>,
      %parallel_loop3A_222 = vector.shape_cast %parallel_loop3A_221 : vector<1x16xf32> to vector<16xf32>
      %parallel_loop3A_223 = arith.mulf %parallel_loop3A_218, %parallel_loop3A_222 : vector<16xf32>
      %parallel_loop3A_224 = arith.index_cast %parallel_loop3A_208 : i32 to index
      %parallel_loop3A_225 = arith.index_cast %parallel_loop3A_213 : i32 to index
      %parallel_loop3A_226 = tpu.vector_load %arg10[%parallel_loop3A_224, %parallel_loop3A_225] {strides = array<i32>} : memref<26x512xf32, #tpu.memory_space<vmem>>, vector<1x16xf32>,
      %parallel_loop3A_227 = vector.shape_cast %parallel_loop3A_226 : vector<1x16xf32> to vector<16xf32>
      %parallel_loop3A_228 = vector.shape_cast %parallel_loop3A_223 : vector<16xf32> to vector<1x16xf32>
      tpu.vector_store %arg10[%parallel_loop3A_224, %parallel_loop3A_225], %parallel_loop3A_228 {strides = array<i32>} : memref<26x512xf32, #tpu.memory_space<vmem>>, vector<1x16xf32>,
    } {sc.loop_unroll_factor = 8 : i64, sc.parallel_access}
    %dma_wait3A_90 = arith.constant 1 : i32
    %dma_wait3A_91 = arith.constant 1664 : i32
    %dma_wait3A_92 = tpu.memref_slice %arg8[%dma_wait3A_91] : memref<13312xf32, #tpu.memory_space<vmem>> -> memref<1664xf32, #tpu.memory_space<vmem>>
    %dma_wait3A_93 = arith.constant 1664 : i32
    %dma_wait3A_94 = tpu.memref_slice %arg7[%dma_wait3A_93] : memref<13312xi32, #tpu.memory_space<vmem>> -> memref<1664xi32, #tpu.memory_space<vmem>>
    %dma_wait3A_95 = arith.constant 0 : i32
    %dma_wait3A_96 = tpu.memref_slice %arg4[%dma_wait3A_95] : memref<1000000xf32, #tpu.memory_space<hbm>> -> memref<1000000xf32, #tpu.memory_space<hbm>>
    %dma_wait3A_97 = tpu.memref_slice %arg11[%dma_wait3A_90] : memref<8x!tpu.dma_semaphore, #tpu.memory_space<semaphore_mem>> -> memref<1x!tpu.dma_semaphore, #tpu.memory_space<semaphore_mem>>
    %dma_wait3A_98 = tpu.memref_squeeze %dma_wait3A_97 : memref<1x!tpu.dma_semaphore, #tpu.memory_space<semaphore_mem>> -> memref<!tpu.dma_semaphore, #tpu.memory_space<semaphore_mem>>
    tpu.wait_indirect_dma semaphore(%dma_wait3A_98 : memref<!tpu.dma_semaphore, #tpu.memory_space<semaphore_mem>>) src(%dma_wait3A_96 : memref<1000000xf32, #tpu.memory_space<hbm>>) dst(%dma_wait3A_92 : memref<1664xf32, #tpu.memory_space<vmem>>)
    %parallel_loop3A_99 = arith.constant 0 : i32
    %parallel_loop3A_100 = arith.constant 104 : i32
    %parallel_loop3A_101 = arith.constant 1 : i32
    scf.for %parallel_loop3A_182 = %parallel_loop3A_99 to %parallel_loop3A_100 step %parallel_loop3A_101  : i32 {
      %parallel_loop3A_183 = arith.constant 104 : i32
      %parallel_loop3A_184 = arith.addi %parallel_loop3A_183, %parallel_loop3A_182 : i32
      %parallel_loop3A_185 = arith.constant 32 : i32
      %parallel_loop3A_186 = arith.divsi %parallel_loop3A_184, %parallel_loop3A_185 : i32
      %parallel_loop3A_187 = arith.constant 0 : i32
      %parallel_loop3A_188 = arith.cmpi sgt, %parallel_loop3A_184, %parallel_loop3A_187 : i32
      %parallel_loop3A_189 = arith.extui %parallel_loop3A_188 : i1 to i32
      %parallel_loop3A_190 = arith.constant 0 : i32
      %parallel_loop3A_191 = arith.cmpi slt, %parallel_loop3A_184, %parallel_loop3A_190 : i32
      %parallel_loop3A_192 = arith.extui %parallel_loop3A_191 : i1 to i32
      %parallel_loop3A_193 = arith.subi %parallel_loop3A_189, %parallel_loop3A_192 : i32
      %parallel_loop3A_194 = arith.constant 0 : i32
      %parallel_loop3A_195 = arith.cmpi sgt, %parallel_loop3A_185, %parallel_loop3A_194 : i32
      %parallel_loop3A_196 = arith.extui %parallel_loop3A_195 : i1 to i32
      %parallel_loop3A_197 = arith.constant 0 : i32
      %parallel_loop3A_198 = arith.cmpi slt, %parallel_loop3A_185, %parallel_loop3A_197 : i32
      %parallel_loop3A_199 = arith.extui %parallel_loop3A_198 : i1 to i32
      %parallel_loop3A_200 = arith.subi %parallel_loop3A_196, %parallel_loop3A_199 : i32
      %parallel_loop3A_201 = arith.cmpi ne, %parallel_loop3A_193, %parallel_loop3A_200 : i32
      %parallel_loop3A_202 = arith.remsi %parallel_loop3A_184, %parallel_loop3A_185 : i32
      %parallel_loop3A_203 = arith.constant 0 : i32
      %parallel_loop3A_204 = arith.cmpi ne, %parallel_loop3A_202, %parallel_loop3A_203 : i32
      %parallel_loop3A_205 = arith.andi %parallel_loop3A_201, %parallel_loop3A_204 : i1
      %parallel_loop3A_206 = arith.constant 1 : i32
      %parallel_loop3A_207 = arith.subi %parallel_loop3A_186, %parallel_loop3A_206 : i32
      %parallel_loop3A_208 = arith.select %parallel_loop3A_205, %parallel_loop3A_207, %parallel_loop3A_186 : i32
      %parallel_loop3A_209 = arith.constant 32 : i32
      %parallel_loop3A_210 = arith.muli %parallel_loop3A_208, %parallel_loop3A_209 : i32
      %parallel_loop3A_211 = arith.subi %parallel_loop3A_184, %parallel_loop3A_210 : i32
      %parallel_loop3A_212 = arith.constant 16 : i32
      %parallel_loop3A_213 = arith.muli %parallel_loop3A_211, %parallel_loop3A_212 : i32
      %parallel_loop3A_214 = arith.constant 16 : i32
      %parallel_loop3A_215 = arith.muli %parallel_loop3A_184, %parallel_loop3A_214 : i32
      %parallel_loop3A_216 = arith.index_cast %parallel_loop3A_215 : i32 to index
      %parallel_loop3A_217 = tpu.vector_load %arg8[%parallel_loop3A_216] {strides = array<i32>} : memref<13312xf32, #tpu.memory_space<vmem>>, vector<16xf32>,
      %parallel_loop3A_218 = vector.shape_cast %parallel_loop3A_217 : vector<16xf32> to vector<16xf32>
      %parallel_loop3A_219 = arith.index_cast %parallel_loop3A_208 : i32 to index
      %parallel_loop3A_220 = arith.index_cast %parallel_loop3A_213 : i32 to index
      %parallel_loop3A_221 = tpu.vector_load %arg9[%parallel_loop3A_219, %parallel_loop3A_220] {strides = array<i32>} : memref<26x512xf32, #tpu.memory_space<vmem>>, vector<1x16xf32>,
      %parallel_loop3A_222 = vector.shape_cast %parallel_loop3A_221 : vector<1x16xf32> to vector<16xf32>
      %parallel_loop3A_223 = arith.mulf %parallel_loop3A_218, %parallel_loop3A_222 : vector<16xf32>
      %parallel_loop3A_224 = arith.index_cast %parallel_loop3A_208 : i32 to index
      %parallel_loop3A_225 = arith.index_cast %parallel_loop3A_213 : i32 to index
      %parallel_loop3A_226 = tpu.vector_load %arg10[%parallel_loop3A_224, %parallel_loop3A_225] {strides = array<i32>} : memref<26x512xf32, #tpu.memory_space<vmem>>, vector<1x16xf32>,
      %parallel_loop3A_227 = vector.shape_cast %parallel_loop3A_226 : vector<1x16xf32> to vector<16xf32>
      %parallel_loop3A_228 = vector.shape_cast %parallel_loop3A_223 : vector<16xf32> to vector<1x16xf32>
      tpu.vector_store %arg10[%parallel_loop3A_224, %parallel_loop3A_225], %parallel_loop3A_228 {strides = array<i32>} : memref<26x512xf32, #tpu.memory_space<vmem>>, vector<1x16xf32>,
    } {sc.loop_unroll_factor = 8 : i64, sc.parallel_access}
    %dma_wait3A_102 = arith.constant 2 : i32
    %dma_wait3A_103 = arith.constant 3328 : i32
    %dma_wait3A_104 = tpu.memref_slice %arg8[%dma_wait3A_103] : memref<13312xf32, #tpu.memory_space<vmem>> -> memref<1664xf32, #tpu.memory_space<vmem>>
    %dma_wait3A_105 = arith.constant 3328 : i32
    %dma_wait3A_106 = tpu.memref_slice %arg7[%dma_wait3A_105] : memref<13312xi32, #tpu.memory_space<vmem>> -> memref<1664xi32, #tpu.memory_space<vmem>>
    %dma_wait3A_107 = arith.constant 0 : i32
    %dma_wait3A_108 = tpu.memref_slice %arg4[%dma_wait3A_107] : memref<1000000xf32, #tpu.memory_space<hbm>> -> memref<1000000xf32, #tpu.memory_space<hbm>>
    %dma_wait3A_109 = tpu.memref_slice %arg11[%dma_wait3A_102] : memref<8x!tpu.dma_semaphore, #tpu.memory_space<semaphore_mem>> -> memref<1x!tpu.dma_semaphore, #tpu.memory_space<semaphore_mem>>
    %dma_wait3A_110 = tpu.memref_squeeze %dma_wait3A_109 : memref<1x!tpu.dma_semaphore, #tpu.memory_space<semaphore_mem>> -> memref<!tpu.dma_semaphore, #tpu.memory_space<semaphore_mem>>
    tpu.wait_indirect_dma semaphore(%dma_wait3A_110 : memref<!tpu.dma_semaphore, #tpu.memory_space<semaphore_mem>>) src(%dma_wait3A_108 : memref<1000000xf32, #tpu.memory_space<hbm>>) dst(%dma_wait3A_104 : memref<1664xf32, #tpu.memory_space<vmem>>)
    %parallel_loop3A_111 = arith.constant 0 : i32
    %parallel_loop3A_112 = arith.constant 104 : i32
    %parallel_loop3A_113 = arith.constant 1 : i32
    scf.for %parallel_loop3A_182 = %parallel_loop3A_111 to %parallel_loop3A_112 step %parallel_loop3A_113  : i32 {
      %parallel_loop3A_183 = arith.constant 208 : i32
      %parallel_loop3A_184 = arith.addi %parallel_loop3A_183, %parallel_loop3A_182 : i32
      %parallel_loop3A_185 = arith.constant 32 : i32
      %parallel_loop3A_186 = arith.divsi %parallel_loop3A_184, %parallel_loop3A_185 : i32
      %parallel_loop3A_187 = arith.constant 0 : i32
      %parallel_loop3A_188 = arith.cmpi sgt, %parallel_loop3A_184, %parallel_loop3A_187 : i32
      %parallel_loop3A_189 = arith.extui %parallel_loop3A_188 : i1 to i32
      %parallel_loop3A_190 = arith.constant 0 : i32
      %parallel_loop3A_191 = arith.cmpi slt, %parallel_loop3A_184, %parallel_loop3A_190 : i32
      %parallel_loop3A_192 = arith.extui %parallel_loop3A_191 : i1 to i32
      %parallel_loop3A_193 = arith.subi %parallel_loop3A_189, %parallel_loop3A_192 : i32
      %parallel_loop3A_194 = arith.constant 0 : i32
      %parallel_loop3A_195 = arith.cmpi sgt, %parallel_loop3A_185, %parallel_loop3A_194 : i32
      %parallel_loop3A_196 = arith.extui %parallel_loop3A_195 : i1 to i32
      %parallel_loop3A_197 = arith.constant 0 : i32
      %parallel_loop3A_198 = arith.cmpi slt, %parallel_loop3A_185, %parallel_loop3A_197 : i32
      %parallel_loop3A_199 = arith.extui %parallel_loop3A_198 : i1 to i32
      %parallel_loop3A_200 = arith.subi %parallel_loop3A_196, %parallel_loop3A_199 : i32
      %parallel_loop3A_201 = arith.cmpi ne, %parallel_loop3A_193, %parallel_loop3A_200 : i32
      %parallel_loop3A_202 = arith.remsi %parallel_loop3A_184, %parallel_loop3A_185 : i32
      %parallel_loop3A_203 = arith.constant 0 : i32
      %parallel_loop3A_204 = arith.cmpi ne, %parallel_loop3A_202, %parallel_loop3A_203 : i32
      %parallel_loop3A_205 = arith.andi %parallel_loop3A_201, %parallel_loop3A_204 : i1
      %parallel_loop3A_206 = arith.constant 1 : i32
      %parallel_loop3A_207 = arith.subi %parallel_loop3A_186, %parallel_loop3A_206 : i32
      %parallel_loop3A_208 = arith.select %parallel_loop3A_205, %parallel_loop3A_207, %parallel_loop3A_186 : i32
      %parallel_loop3A_209 = arith.constant 32 : i32
      %parallel_loop3A_210 = arith.muli %parallel_loop3A_208, %parallel_loop3A_209 : i32
      %parallel_loop3A_211 = arith.subi %parallel_loop3A_184, %parallel_loop3A_210 : i32
      %parallel_loop3A_212 = arith.constant 16 : i32
      %parallel_loop3A_213 = arith.muli %parallel_loop3A_211, %parallel_loop3A_212 : i32
      %parallel_loop3A_214 = arith.constant 16 : i32
      %parallel_loop3A_215 = arith.muli %parallel_loop3A_184, %parallel_loop3A_214 : i32
      %parallel_loop3A_216 = arith.index_cast %parallel_loop3A_215 : i32 to index
      %parallel_loop3A_217 = tpu.vector_load %arg8[%parallel_loop3A_216] {strides = array<i32>} : memref<13312xf32, #tpu.memory_space<vmem>>, vector<16xf32>,
      %parallel_loop3A_218 = vector.shape_cast %parallel_loop3A_217 : vector<16xf32> to vector<16xf32>
      %parallel_loop3A_219 = arith.index_cast %parallel_loop3A_208 : i32 to index
      %parallel_loop3A_220 = arith.index_cast %parallel_loop3A_213 : i32 to index
      %parallel_loop3A_221 = tpu.vector_load %arg9[%parallel_loop3A_219, %parallel_loop3A_220] {strides = array<i32>} : memref<26x512xf32, #tpu.memory_space<vmem>>, vector<1x16xf32>,
      %parallel_loop3A_222 = vector.shape_cast %parallel_loop3A_221 : vector<1x16xf32> to vector<16xf32>
      %parallel_loop3A_223 = arith.mulf %parallel_loop3A_218, %parallel_loop3A_222 : vector<16xf32>
      %parallel_loop3A_224 = arith.index_cast %parallel_loop3A_208 : i32 to index
      %parallel_loop3A_225 = arith.index_cast %parallel_loop3A_213 : i32 to index
      %parallel_loop3A_226 = tpu.vector_load %arg10[%parallel_loop3A_224, %parallel_loop3A_225] {strides = array<i32>} : memref<26x512xf32, #tpu.memory_space<vmem>>, vector<1x16xf32>,
      %parallel_loop3A_227 = vector.shape_cast %parallel_loop3A_226 : vector<1x16xf32> to vector<16xf32>
      %parallel_loop3A_228 = vector.shape_cast %parallel_loop3A_223 : vector<16xf32> to vector<1x16xf32>
      tpu.vector_store %arg10[%parallel_loop3A_224, %parallel_loop3A_225], %parallel_loop3A_228 {strides = array<i32>} : memref<26x512xf32, #tpu.memory_space<vmem>>, vector<1x16xf32>,
    } {sc.loop_unroll_factor = 8 : i64, sc.parallel_access}
    %dma_wait3A_114 = arith.constant 3 : i32
    %dma_wait3A_115 = arith.constant 4992 : i32
    %dma_wait3A_116 = tpu.memref_slice %arg8[%dma_wait3A_115] : memref<13312xf32, #tpu.memory_space<vmem>> -> memref<1664xf32, #tpu.memory_space<vmem>>
    %dma_wait3A_117 = arith.constant 4992 : i32
    %dma_wait3A_118 = tpu.memref_slice %arg7[%dma_wait3A_117] : memref<13312xi32, #tpu.memory_space<vmem>> -> memref<1664xi32, #tpu.memory_space<vmem>>
    %dma_wait3A_119 = arith.constant 0 : i32
    %dma_wait3A_120 = tpu.memref_slice %arg4[%dma_wait3A_119] : memref<1000000xf32, #tpu.memory_space<hbm>> -> memref<1000000xf32, #tpu.memory_space<hbm>>
    %dma_wait3A_121 = tpu.memref_slice %arg11[%dma_wait3A_114] : memref<8x!tpu.dma_semaphore, #tpu.memory_space<semaphore_mem>> -> memref<1x!tpu.dma_semaphore, #tpu.memory_space<semaphore_mem>>
    %dma_wait3A_122 = tpu.memref_squeeze %dma_wait3A_121 : memref<1x!tpu.dma_semaphore, #tpu.memory_space<semaphore_mem>> -> memref<!tpu.dma_semaphore, #tpu.memory_space<semaphore_mem>>
    tpu.wait_indirect_dma semaphore(%dma_wait3A_122 : memref<!tpu.dma_semaphore, #tpu.memory_space<semaphore_mem>>) src(%dma_wait3A_120 : memref<1000000xf32, #tpu.memory_space<hbm>>) dst(%dma_wait3A_116 : memref<1664xf32, #tpu.memory_space<vmem>>)
    %parallel_loop3A_123 = arith.constant 0 : i32
    %parallel_loop3A_124 = arith.constant 104 : i32
    %parallel_loop3A_125 = arith.constant 1 : i32
    scf.for %parallel_loop3A_182 = %parallel_loop3A_123 to %parallel_loop3A_124 step %parallel_loop3A_125  : i32 {
      %parallel_loop3A_183 = arith.constant 312 : i32
      %parallel_loop3A_184 = arith.addi %parallel_loop3A_183, %parallel_loop3A_182 : i32
      %parallel_loop3A_185 = arith.constant 32 : i32
      %parallel_loop3A_186 = arith.divsi %parallel_loop3A_184, %parallel_loop3A_185 : i32
      %parallel_loop3A_187 = arith.constant 0 : i32
      %parallel_loop3A_188 = arith.cmpi sgt, %parallel_loop3A_184, %parallel_loop3A_187 : i32
      %parallel_loop3A_189 = arith.extui %parallel_loop3A_188 : i1 to i32
      %parallel_loop3A_190 = arith.constant 0 : i32
      %parallel_loop3A_191 = arith.cmpi slt, %parallel_loop3A_184, %parallel_loop3A_190 : i32
      %parallel_loop3A_192 = arith.extui %parallel_loop3A_191 : i1 to i32
      %parallel_loop3A_193 = arith.subi %parallel_loop3A_189, %parallel_loop3A_192 : i32
      %parallel_loop3A_194 = arith.constant 0 : i32
      %parallel_loop3A_195 = arith.cmpi sgt, %parallel_loop3A_185, %parallel_loop3A_194 : i32
      %parallel_loop3A_196 = arith.extui %parallel_loop3A_195 : i1 to i32
      %parallel_loop3A_197 = arith.constant 0 : i32
      %parallel_loop3A_198 = arith.cmpi slt, %parallel_loop3A_185, %parallel_loop3A_197 : i32
      %parallel_loop3A_199 = arith.extui %parallel_loop3A_198 : i1 to i32
      %parallel_loop3A_200 = arith.subi %parallel_loop3A_196, %parallel_loop3A_199 : i32
      %parallel_loop3A_201 = arith.cmpi ne, %parallel_loop3A_193, %parallel_loop3A_200 : i32
      %parallel_loop3A_202 = arith.remsi %parallel_loop3A_184, %parallel_loop3A_185 : i32
      %parallel_loop3A_203 = arith.constant 0 : i32
      %parallel_loop3A_204 = arith.cmpi ne, %parallel_loop3A_202, %parallel_loop3A_203 : i32
      %parallel_loop3A_205 = arith.andi %parallel_loop3A_201, %parallel_loop3A_204 : i1
      %parallel_loop3A_206 = arith.constant 1 : i32
      %parallel_loop3A_207 = arith.subi %parallel_loop3A_186, %parallel_loop3A_206 : i32
      %parallel_loop3A_208 = arith.select %parallel_loop3A_205, %parallel_loop3A_207, %parallel_loop3A_186 : i32
      %parallel_loop3A_209 = arith.constant 32 : i32
      %parallel_loop3A_210 = arith.muli %parallel_loop3A_208, %parallel_loop3A_209 : i32
      %parallel_loop3A_211 = arith.subi %parallel_loop3A_184, %parallel_loop3A_210 : i32
      %parallel_loop3A_212 = arith.constant 16 : i32
      %parallel_loop3A_213 = arith.muli %parallel_loop3A_211, %parallel_loop3A_212 : i32
      %parallel_loop3A_214 = arith.constant 16 : i32
      %parallel_loop3A_215 = arith.muli %parallel_loop3A_184, %parallel_loop3A_214 : i32
      %parallel_loop3A_216 = arith.index_cast %parallel_loop3A_215 : i32 to index
      %parallel_loop3A_217 = tpu.vector_load %arg8[%parallel_loop3A_216] {strides = array<i32>} : memref<13312xf32, #tpu.memory_space<vmem>>, vector<16xf32>,
      %parallel_loop3A_218 = vector.shape_cast %parallel_loop3A_217 : vector<16xf32> to vector<16xf32>
      %parallel_loop3A_219 = arith.index_cast %parallel_loop3A_208 : i32 to index
      %parallel_loop3A_220 = arith.index_cast %parallel_loop3A_213 : i32 to index
      %parallel_loop3A_221 = tpu.vector_load %arg9[%parallel_loop3A_219, %parallel_loop3A_220] {strides = array<i32>} : memref<26x512xf32, #tpu.memory_space<vmem>>, vector<1x16xf32>,
      %parallel_loop3A_222 = vector.shape_cast %parallel_loop3A_221 : vector<1x16xf32> to vector<16xf32>
      %parallel_loop3A_223 = arith.mulf %parallel_loop3A_218, %parallel_loop3A_222 : vector<16xf32>
      %parallel_loop3A_224 = arith.index_cast %parallel_loop3A_208 : i32 to index
      %parallel_loop3A_225 = arith.index_cast %parallel_loop3A_213 : i32 to index
      %parallel_loop3A_226 = tpu.vector_load %arg10[%parallel_loop3A_224, %parallel_loop3A_225] {strides = array<i32>} : memref<26x512xf32, #tpu.memory_space<vmem>>, vector<1x16xf32>,
      %parallel_loop3A_227 = vector.shape_cast %parallel_loop3A_226 : vector<1x16xf32> to vector<16xf32>
      %parallel_loop3A_228 = vector.shape_cast %parallel_loop3A_223 : vector<16xf32> to vector<1x16xf32>
      tpu.vector_store %arg10[%parallel_loop3A_224, %parallel_loop3A_225], %parallel_loop3A_228 {strides = array<i32>} : memref<26x512xf32, #tpu.memory_space<vmem>>, vector<1x16xf32>,
    } {sc.loop_unroll_factor = 8 : i64, sc.parallel_access}
    %dma_wait3A_126 = arith.constant 4 : i32
    %dma_wait3A_127 = arith.constant 6656 : i32
    %dma_wait3A_128 = tpu.memref_slice %arg8[%dma_wait3A_127] : memref<13312xf32, #tpu.memory_space<vmem>> -> memref<1664xf32, #tpu.memory_space<vmem>>
    %dma_wait3A_129 = arith.constant 6656 : i32
    %dma_wait3A_130 = tpu.memref_slice %arg7[%dma_wait3A_129] : memref<13312xi32, #tpu.memory_space<vmem>> -> memref<1664xi32, #tpu.memory_space<vmem>>
    %dma_wait3A_131 = arith.constant 0 : i32
    %dma_wait3A_132 = tpu.memref_slice %arg4[%dma_wait3A_131] : memref<1000000xf32, #tpu.memory_space<hbm>> -> memref<1000000xf32, #tpu.memory_space<hbm>>
    %dma_wait3A_133 = tpu.memref_slice %arg11[%dma_wait3A_126] : memref<8x!tpu.dma_semaphore, #tpu.memory_space<semaphore_mem>> -> memref<1x!tpu.dma_semaphore, #tpu.memory_space<semaphore_mem>>
    %dma_wait3A_134 = tpu.memref_squeeze %dma_wait3A_133 : memref<1x!tpu.dma_semaphore, #tpu.memory_space<semaphore_mem>> -> memref<!tpu.dma_semaphore, #tpu.memory_space<semaphore_mem>>
    tpu.wait_indirect_dma semaphore(%dma_wait3A_134 : memref<!tpu.dma_semaphore, #tpu.memory_space<semaphore_mem>>) src(%dma_wait3A_132 : memref<1000000xf32, #tpu.memory_space<hbm>>) dst(%dma_wait3A_128 : memref<1664xf32, #tpu.memory_space<vmem>>)
    %parallel_loop3A_135 = arith.constant 0 : i32
    %parallel_loop3A_136 = arith.constant 104 : i32
    %parallel_loop3A_137 = arith.constant 1 : i32
    scf.for %parallel_loop3A_182 = %parallel_loop3A_135 to %parallel_loop3A_136 step %parallel_loop3A_137  : i32 {
      %parallel_loop3A_183 = arith.constant 416 : i32
      %parallel_loop3A_184 = arith.addi %parallel_loop3A_183, %parallel_loop3A_182 : i32
      %parallel_loop3A_185 = arith.constant 32 : i32
      %parallel_loop3A_186 = arith.divsi %parallel_loop3A_184, %parallel_loop3A_185 : i32
      %parallel_loop3A_187 = arith.constant 0 : i32
      %parallel_loop3A_188 = arith.cmpi sgt, %parallel_loop3A_184, %parallel_loop3A_187 : i32
      %parallel_loop3A_189 = arith.extui %parallel_loop3A_188 : i1 to i32
      %parallel_loop3A_190 = arith.constant 0 : i32
      %parallel_loop3A_191 = arith.cmpi slt, %parallel_loop3A_184, %parallel_loop3A_190 : i32
      %parallel_loop3A_192 = arith.extui %parallel_loop3A_191 : i1 to i32
      %parallel_loop3A_193 = arith.subi %parallel_loop3A_189, %parallel_loop3A_192 : i32
      %parallel_loop3A_194 = arith.constant 0 : i32
      %parallel_loop3A_195 = arith.cmpi sgt, %parallel_loop3A_185, %parallel_loop3A_194 : i32
      %parallel_loop3A_196 = arith.extui %parallel_loop3A_195 : i1 to i32
      %parallel_loop3A_197 = arith.constant 0 : i32
      %parallel_loop3A_198 = arith.cmpi slt, %parallel_loop3A_185, %parallel_loop3A_197 : i32
      %parallel_loop3A_199 = arith.extui %parallel_loop3A_198 : i1 to i32
      %parallel_loop3A_200 = arith.subi %parallel_loop3A_196, %parallel_loop3A_199 : i32
      %parallel_loop3A_201 = arith.cmpi ne, %parallel_loop3A_193, %parallel_loop3A_200 : i32
      %parallel_loop3A_202 = arith.remsi %parallel_loop3A_184, %parallel_loop3A_185 : i32
      %parallel_loop3A_203 = arith.constant 0 : i32
      %parallel_loop3A_204 = arith.cmpi ne, %parallel_loop3A_202, %parallel_loop3A_203 : i32
      %parallel_loop3A_205 = arith.andi %parallel_loop3A_201, %parallel_loop3A_204 : i1
      %parallel_loop3A_206 = arith.constant 1 : i32
      %parallel_loop3A_207 = arith.subi %parallel_loop3A_186, %parallel_loop3A_206 : i32
      %parallel_loop3A_208 = arith.select %parallel_loop3A_205, %parallel_loop3A_207, %parallel_loop3A_186 : i32
      %parallel_loop3A_209 = arith.constant 32 : i32
      %parallel_loop3A_210 = arith.muli %parallel_loop3A_208, %parallel_loop3A_209 : i32
      %parallel_loop3A_211 = arith.subi %parallel_loop3A_184, %parallel_loop3A_210 : i32
      %parallel_loop3A_212 = arith.constant 16 : i32
      %parallel_loop3A_213 = arith.muli %parallel_loop3A_211, %parallel_loop3A_212 : i32
      %parallel_loop3A_214 = arith.constant 16 : i32
      %parallel_loop3A_215 = arith.muli %parallel_loop3A_184, %parallel_loop3A_214 : i32
      %parallel_loop3A_216 = arith.index_cast %parallel_loop3A_215 : i32 to index
      %parallel_loop3A_217 = tpu.vector_load %arg8[%parallel_loop3A_216] {strides = array<i32>} : memref<13312xf32, #tpu.memory_space<vmem>>, vector<16xf32>,
      %parallel_loop3A_218 = vector.shape_cast %parallel_loop3A_217 : vector<16xf32> to vector<16xf32>
      %parallel_loop3A_219 = arith.index_cast %parallel_loop3A_208 : i32 to index
      %parallel_loop3A_220 = arith.index_cast %parallel_loop3A_213 : i32 to index
      %parallel_loop3A_221 = tpu.vector_load %arg9[%parallel_loop3A_219, %parallel_loop3A_220] {strides = array<i32>} : memref<26x512xf32, #tpu.memory_space<vmem>>, vector<1x16xf32>,
      %parallel_loop3A_222 = vector.shape_cast %parallel_loop3A_221 : vector<1x16xf32> to vector<16xf32>
      %parallel_loop3A_223 = arith.mulf %parallel_loop3A_218, %parallel_loop3A_222 : vector<16xf32>
      %parallel_loop3A_224 = arith.index_cast %parallel_loop3A_208 : i32 to index
      %parallel_loop3A_225 = arith.index_cast %parallel_loop3A_213 : i32 to index
      %parallel_loop3A_226 = tpu.vector_load %arg10[%parallel_loop3A_224, %parallel_loop3A_225] {strides = array<i32>} : memref<26x512xf32, #tpu.memory_space<vmem>>, vector<1x16xf32>,
      %parallel_loop3A_227 = vector.shape_cast %parallel_loop3A_226 : vector<1x16xf32> to vector<16xf32>
      %parallel_loop3A_228 = vector.shape_cast %parallel_loop3A_223 : vector<16xf32> to vector<1x16xf32>
      tpu.vector_store %arg10[%parallel_loop3A_224, %parallel_loop3A_225], %parallel_loop3A_228 {strides = array<i32>} : memref<26x512xf32, #tpu.memory_space<vmem>>, vector<1x16xf32>,
    } {sc.loop_unroll_factor = 8 : i64, sc.parallel_access}
    %dma_wait3A_138 = arith.constant 5 : i32
    %dma_wait3A_139 = arith.constant 8320 : i32
    %dma_wait3A_140 = tpu.memref_slice %arg8[%dma_wait3A_139] : memref<13312xf32, #tpu.memory_space<vmem>> -> memref<1664xf32, #tpu.memory_space<vmem>>
    %dma_wait3A_141 = arith.constant 8320 : i32
    %dma_wait3A_142 = tpu.memref_slice %arg7[%dma_wait3A_141] : memref<13312xi32, #tpu.memory_space<vmem>> -> memref<1664xi32, #tpu.memory_space<vmem>>
    %dma_wait3A_143 = arith.constant 0 : i32
    %dma_wait3A_144 = tpu.memref_slice %arg4[%dma_wait3A_143] : memref<1000000xf32, #tpu.memory_space<hbm>> -> memref<1000000xf32, #tpu.memory_space<hbm>>
    %dma_wait3A_145 = tpu.memref_slice %arg11[%dma_wait3A_138] : memref<8x!tpu.dma_semaphore, #tpu.memory_space<semaphore_mem>> -> memref<1x!tpu.dma_semaphore, #tpu.memory_space<semaphore_mem>>
    %dma_wait3A_146 = tpu.memref_squeeze %dma_wait3A_145 : memref<1x!tpu.dma_semaphore, #tpu.memory_space<semaphore_mem>> -> memref<!tpu.dma_semaphore, #tpu.memory_space<semaphore_mem>>
    tpu.wait_indirect_dma semaphore(%dma_wait3A_146 : memref<!tpu.dma_semaphore, #tpu.memory_space<semaphore_mem>>) src(%dma_wait3A_144 : memref<1000000xf32, #tpu.memory_space<hbm>>) dst(%dma_wait3A_140 : memref<1664xf32, #tpu.memory_space<vmem>>)
    %parallel_loop3A_147 = arith.constant 0 : i32
    %parallel_loop3A_148 = arith.constant 104 : i32
    %parallel_loop3A_149 = arith.constant 1 : i32
    scf.for %parallel_loop3A_182 = %parallel_loop3A_147 to %parallel_loop3A_148 step %parallel_loop3A_149  : i32 {
      %parallel_loop3A_183 = arith.constant 520 : i32
      %parallel_loop3A_184 = arith.addi %parallel_loop3A_183, %parallel_loop3A_182 : i32
      %parallel_loop3A_185 = arith.constant 32 : i32
      %parallel_loop3A_186 = arith.divsi %parallel_loop3A_184, %parallel_loop3A_185 : i32
      %parallel_loop3A_187 = arith.constant 0 : i32
      %parallel_loop3A_188 = arith.cmpi sgt, %parallel_loop3A_184, %parallel_loop3A_187 : i32
      %parallel_loop3A_189 = arith.extui %parallel_loop3A_188 : i1 to i32
      %parallel_loop3A_190 = arith.constant 0 : i32
      %parallel_loop3A_191 = arith.cmpi slt, %parallel_loop3A_184, %parallel_loop3A_190 : i32
      %parallel_loop3A_192 = arith.extui %parallel_loop3A_191 : i1 to i32
      %parallel_loop3A_193 = arith.subi %parallel_loop3A_189, %parallel_loop3A_192 : i32
      %parallel_loop3A_194 = arith.constant 0 : i32
      %parallel_loop3A_195 = arith.cmpi sgt, %parallel_loop3A_185, %parallel_loop3A_194 : i32
      %parallel_loop3A_196 = arith.extui %parallel_loop3A_195 : i1 to i32
      %parallel_loop3A_197 = arith.constant 0 : i32
      %parallel_loop3A_198 = arith.cmpi slt, %parallel_loop3A_185, %parallel_loop3A_197 : i32
      %parallel_loop3A_199 = arith.extui %parallel_loop3A_198 : i1 to i32
      %parallel_loop3A_200 = arith.subi %parallel_loop3A_196, %parallel_loop3A_199 : i32
      %parallel_loop3A_201 = arith.cmpi ne, %parallel_loop3A_193, %parallel_loop3A_200 : i32
      %parallel_loop3A_202 = arith.remsi %parallel_loop3A_184, %parallel_loop3A_185 : i32
      %parallel_loop3A_203 = arith.constant 0 : i32
      %parallel_loop3A_204 = arith.cmpi ne, %parallel_loop3A_202, %parallel_loop3A_203 : i32
      %parallel_loop3A_205 = arith.andi %parallel_loop3A_201, %parallel_loop3A_204 : i1
      %parallel_loop3A_206 = arith.constant 1 : i32
      %parallel_loop3A_207 = arith.subi %parallel_loop3A_186, %parallel_loop3A_206 : i32
      %parallel_loop3A_208 = arith.select %parallel_loop3A_205, %parallel_loop3A_207, %parallel_loop3A_186 : i32
      %parallel_loop3A_209 = arith.constant 32 : i32
      %parallel_loop3A_210 = arith.muli %parallel_loop3A_208, %parallel_loop3A_209 : i32
      %parallel_loop3A_211 = arith.subi %parallel_loop3A_184, %parallel_loop3A_210 : i32
      %parallel_loop3A_212 = arith.constant 16 : i32
      %parallel_loop3A_213 = arith.muli %parallel_loop3A_211, %parallel_loop3A_212 : i32
      %parallel_loop3A_214 = arith.constant 16 : i32
      %parallel_loop3A_215 = arith.muli %parallel_loop3A_184, %parallel_loop3A_214 : i32
      %parallel_loop3A_216 = arith.index_cast %parallel_loop3A_215 : i32 to index
      %parallel_loop3A_217 = tpu.vector_load %arg8[%parallel_loop3A_216] {strides = array<i32>} : memref<13312xf32, #tpu.memory_space<vmem>>, vector<16xf32>,
      %parallel_loop3A_218 = vector.shape_cast %parallel_loop3A_217 : vector<16xf32> to vector<16xf32>
      %parallel_loop3A_219 = arith.index_cast %parallel_loop3A_208 : i32 to index
      %parallel_loop3A_220 = arith.index_cast %parallel_loop3A_213 : i32 to index
      %parallel_loop3A_221 = tpu.vector_load %arg9[%parallel_loop3A_219, %parallel_loop3A_220] {strides = array<i32>} : memref<26x512xf32, #tpu.memory_space<vmem>>, vector<1x16xf32>,
      %parallel_loop3A_222 = vector.shape_cast %parallel_loop3A_221 : vector<1x16xf32> to vector<16xf32>
      %parallel_loop3A_223 = arith.mulf %parallel_loop3A_218, %parallel_loop3A_222 : vector<16xf32>
      %parallel_loop3A_224 = arith.index_cast %parallel_loop3A_208 : i32 to index
      %parallel_loop3A_225 = arith.index_cast %parallel_loop3A_213 : i32 to index
      %parallel_loop3A_226 = tpu.vector_load %arg10[%parallel_loop3A_224, %parallel_loop3A_225] {strides = array<i32>} : memref<26x512xf32, #tpu.memory_space<vmem>>, vector<1x16xf32>,
      %parallel_loop3A_227 = vector.shape_cast %parallel_loop3A_226 : vector<1x16xf32> to vector<16xf32>
      %parallel_loop3A_228 = vector.shape_cast %parallel_loop3A_223 : vector<16xf32> to vector<1x16xf32>
      tpu.vector_store %arg10[%parallel_loop3A_224, %parallel_loop3A_225], %parallel_loop3A_228 {strides = array<i32>} : memref<26x512xf32, #tpu.memory_space<vmem>>, vector<1x16xf32>,
    } {sc.loop_unroll_factor = 8 : i64, sc.parallel_access}
    %dma_wait3A_150 = arith.constant 6 : i32
    %dma_wait3A_151 = arith.constant 9984 : i32
    %dma_wait3A_152 = tpu.memref_slice %arg8[%dma_wait3A_151] : memref<13312xf32, #tpu.memory_space<vmem>> -> memref<1664xf32, #tpu.memory_space<vmem>>
    %dma_wait3A_153 = arith.constant 9984 : i32
    %dma_wait3A_154 = tpu.memref_slice %arg7[%dma_wait3A_153] : memref<13312xi32, #tpu.memory_space<vmem>> -> memref<1664xi32, #tpu.memory_space<vmem>>
    %dma_wait3A_155 = arith.constant 0 : i32
    %dma_wait3A_156 = tpu.memref_slice %arg4[%dma_wait3A_155] : memref<1000000xf32, #tpu.memory_space<hbm>> -> memref<1000000xf32, #tpu.memory_space<hbm>>
    %dma_wait3A_157 = tpu.memref_slice %arg11[%dma_wait3A_150] : memref<8x!tpu.dma_semaphore, #tpu.memory_space<semaphore_mem>> -> memref<1x!tpu.dma_semaphore, #tpu.memory_space<semaphore_mem>>
    %dma_wait3A_158 = tpu.memref_squeeze %dma_wait3A_157 : memref<1x!tpu.dma_semaphore, #tpu.memory_space<semaphore_mem>> -> memref<!tpu.dma_semaphore, #tpu.memory_space<semaphore_mem>>
    tpu.wait_indirect_dma semaphore(%dma_wait3A_158 : memref<!tpu.dma_semaphore, #tpu.memory_space<semaphore_mem>>) src(%dma_wait3A_156 : memref<1000000xf32, #tpu.memory_space<hbm>>) dst(%dma_wait3A_152 : memref<1664xf32, #tpu.memory_space<vmem>>)
    %parallel_loop3A_159 = arith.constant 0 : i32
    %parallel_loop3A_160 = arith.constant 104 : i32
    %parallel_loop3A_161 = arith.constant 1 : i32
    scf.for %parallel_loop3A_182 = %parallel_loop3A_159 to %parallel_loop3A_160 step %parallel_loop3A_161  : i32 {
      %parallel_loop3A_183 = arith.constant 624 : i32
      %parallel_loop3A_184 = arith.addi %parallel_loop3A_183, %parallel_loop3A_182 : i32
      %parallel_loop3A_185 = arith.constant 32 : i32
      %parallel_loop3A_186 = arith.divsi %parallel_loop3A_184, %parallel_loop3A_185 : i32
      %parallel_loop3A_187 = arith.constant 0 : i32
      %parallel_loop3A_188 = arith.cmpi sgt, %parallel_loop3A_184, %parallel_loop3A_187 : i32
      %parallel_loop3A_189 = arith.extui %parallel_loop3A_188 : i1 to i32
      %parallel_loop3A_190 = arith.constant 0 : i32
      %parallel_loop3A_191 = arith.cmpi slt, %parallel_loop3A_184, %parallel_loop3A_190 : i32
      %parallel_loop3A_192 = arith.extui %parallel_loop3A_191 : i1 to i32
      %parallel_loop3A_193 = arith.subi %parallel_loop3A_189, %parallel_loop3A_192 : i32
      %parallel_loop3A_194 = arith.constant 0 : i32
      %parallel_loop3A_195 = arith.cmpi sgt, %parallel_loop3A_185, %parallel_loop3A_194 : i32
      %parallel_loop3A_196 = arith.extui %parallel_loop3A_195 : i1 to i32
      %parallel_loop3A_197 = arith.constant 0 : i32
      %parallel_loop3A_198 = arith.cmpi slt, %parallel_loop3A_185, %parallel_loop3A_197 : i32
      %parallel_loop3A_199 = arith.extui %parallel_loop3A_198 : i1 to i32
      %parallel_loop3A_200 = arith.subi %parallel_loop3A_196, %parallel_loop3A_199 : i32
      %parallel_loop3A_201 = arith.cmpi ne, %parallel_loop3A_193, %parallel_loop3A_200 : i32
      %parallel_loop3A_202 = arith.remsi %parallel_loop3A_184, %parallel_loop3A_185 : i32
      %parallel_loop3A_203 = arith.constant 0 : i32
      %parallel_loop3A_204 = arith.cmpi ne, %parallel_loop3A_202, %parallel_loop3A_203 : i32
      %parallel_loop3A_205 = arith.andi %parallel_loop3A_201, %parallel_loop3A_204 : i1
      %parallel_loop3A_206 = arith.constant 1 : i32
      %parallel_loop3A_207 = arith.subi %parallel_loop3A_186, %parallel_loop3A_206 : i32
      %parallel_loop3A_208 = arith.select %parallel_loop3A_205, %parallel_loop3A_207, %parallel_loop3A_186 : i32
      %parallel_loop3A_209 = arith.constant 32 : i32
      %parallel_loop3A_210 = arith.muli %parallel_loop3A_208, %parallel_loop3A_209 : i32
      %parallel_loop3A_211 = arith.subi %parallel_loop3A_184, %parallel_loop3A_210 : i32
      %parallel_loop3A_212 = arith.constant 16 : i32
      %parallel_loop3A_213 = arith.muli %parallel_loop3A_211, %parallel_loop3A_212 : i32
      %parallel_loop3A_214 = arith.constant 16 : i32
      %parallel_loop3A_215 = arith.muli %parallel_loop3A_184, %parallel_loop3A_214 : i32
      %parallel_loop3A_216 = arith.index_cast %parallel_loop3A_215 : i32 to index
      %parallel_loop3A_217 = tpu.vector_load %arg8[%parallel_loop3A_216] {strides = array<i32>} : memref<13312xf32, #tpu.memory_space<vmem>>, vector<16xf32>,
      %parallel_loop3A_218 = vector.shape_cast %parallel_loop3A_217 : vector<16xf32> to vector<16xf32>
      %parallel_loop3A_219 = arith.index_cast %parallel_loop3A_208 : i32 to index
      %parallel_loop3A_220 = arith.index_cast %parallel_loop3A_213 : i32 to index
      %parallel_loop3A_221 = tpu.vector_load %arg9[%parallel_loop3A_219, %parallel_loop3A_220] {strides = array<i32>} : memref<26x512xf32, #tpu.memory_space<vmem>>, vector<1x16xf32>,
      %parallel_loop3A_222 = vector.shape_cast %parallel_loop3A_221 : vector<1x16xf32> to vector<16xf32>
      %parallel_loop3A_223 = arith.mulf %parallel_loop3A_218, %parallel_loop3A_222 : vector<16xf32>
      %parallel_loop3A_224 = arith.index_cast %parallel_loop3A_208 : i32 to index
      %parallel_loop3A_225 = arith.index_cast %parallel_loop3A_213 : i32 to index
      %parallel_loop3A_226 = tpu.vector_load %arg10[%parallel_loop3A_224, %parallel_loop3A_225] {strides = array<i32>} : memref<26x512xf32, #tpu.memory_space<vmem>>, vector<1x16xf32>,
      %parallel_loop3A_227 = vector.shape_cast %parallel_loop3A_226 : vector<1x16xf32> to vector<16xf32>
      %parallel_loop3A_228 = vector.shape_cast %parallel_loop3A_223 : vector<16xf32> to vector<1x16xf32>
      tpu.vector_store %arg10[%parallel_loop3A_224, %parallel_loop3A_225], %parallel_loop3A_228 {strides = array<i32>} : memref<26x512xf32, #tpu.memory_space<vmem>>, vector<1x16xf32>,
    } {sc.loop_unroll_factor = 8 : i64, sc.parallel_access}
    %dma_wait3A_162 = arith.constant 7 : i32
    %dma_wait3A_163 = arith.constant 11648 : i32
    %dma_wait3A_164 = tpu.memref_slice %arg8[%dma_wait3A_163] : memref<13312xf32, #tpu.memory_space<vmem>> -> memref<1664xf32, #tpu.memory_space<vmem>>
    %dma_wait3A_165 = arith.constant 11648 : i32
    %dma_wait3A_166 = tpu.memref_slice %arg7[%dma_wait3A_165] : memref<13312xi32, #tpu.memory_space<vmem>> -> memref<1664xi32, #tpu.memory_space<vmem>>
    %dma_wait3A_167 = arith.constant 0 : i32
    %dma_wait3A_168 = tpu.memref_slice %arg4[%dma_wait3A_167] : memref<1000000xf32, #tpu.memory_space<hbm>> -> memref<1000000xf32, #tpu.memory_space<hbm>>
    %dma_wait3A_169 = tpu.memref_slice %arg11[%dma_wait3A_162] : memref<8x!tpu.dma_semaphore, #tpu.memory_space<semaphore_mem>> -> memref<1x!tpu.dma_semaphore, #tpu.memory_space<semaphore_mem>>
    %dma_wait3A_170 = tpu.memref_squeeze %dma_wait3A_169 : memref<1x!tpu.dma_semaphore, #tpu.memory_space<semaphore_mem>> -> memref<!tpu.dma_semaphore, #tpu.memory_space<semaphore_mem>>
    tpu.wait_indirect_dma semaphore(%dma_wait3A_170 : memref<!tpu.dma_semaphore, #tpu.memory_space<semaphore_mem>>) src(%dma_wait3A_168 : memref<1000000xf32, #tpu.memory_space<hbm>>) dst(%dma_wait3A_164 : memref<1664xf32, #tpu.memory_space<vmem>>)
    %parallel_loop3A_171 = arith.constant 0 : i32
    %parallel_loop3A_172 = arith.constant 104 : i32
    %parallel_loop3A_173 = arith.constant 1 : i32
    scf.for %parallel_loop3A_182 = %parallel_loop3A_171 to %parallel_loop3A_172 step %parallel_loop3A_173  : i32 {
      %parallel_loop3A_183 = arith.constant 728 : i32
      %parallel_loop3A_184 = arith.addi %parallel_loop3A_183, %parallel_loop3A_182 : i32
      %parallel_loop3A_185 = arith.constant 32 : i32
      %parallel_loop3A_186 = arith.divsi %parallel_loop3A_184, %parallel_loop3A_185 : i32
      %parallel_loop3A_187 = arith.constant 0 : i32
      %parallel_loop3A_188 = arith.cmpi sgt, %parallel_loop3A_184, %parallel_loop3A_187 : i32
      %parallel_loop3A_189 = arith.extui %parallel_loop3A_188 : i1 to i32
      %parallel_loop3A_190 = arith.constant 0 : i32
      %parallel_loop3A_191 = arith.cmpi slt, %parallel_loop3A_184, %parallel_loop3A_190 : i32
      %parallel_loop3A_192 = arith.extui %parallel_loop3A_191 : i1 to i32
      %parallel_loop3A_193 = arith.subi %parallel_loop3A_189, %parallel_loop3A_192 : i32
      %parallel_loop3A_194 = arith.constant 0 : i32
      %parallel_loop3A_195 = arith.cmpi sgt, %parallel_loop3A_185, %parallel_loop3A_194 : i32
      %parallel_loop3A_196 = arith.extui %parallel_loop3A_195 : i1 to i32
      %parallel_loop3A_197 = arith.constant 0 : i32
      %parallel_loop3A_198 = arith.cmpi slt, %parallel_loop3A_185, %parallel_loop3A_197 : i32
      %parallel_loop3A_199 = arith.extui %parallel_loop3A_198 : i1 to i32
      %parallel_loop3A_200 = arith.subi %parallel_loop3A_196, %parallel_loop3A_199 : i32
      %parallel_loop3A_201 = arith.cmpi ne, %parallel_loop3A_193, %parallel_loop3A_200 : i32
      %parallel_loop3A_202 = arith.remsi %parallel_loop3A_184, %parallel_loop3A_185 : i32
      %parallel_loop3A_203 = arith.constant 0 : i32
      %parallel_loop3A_204 = arith.cmpi ne, %parallel_loop3A_202, %parallel_loop3A_203 : i32
      %parallel_loop3A_205 = arith.andi %parallel_loop3A_201, %parallel_loop3A_204 : i1
      %parallel_loop3A_206 = arith.constant 1 : i32
      %parallel_loop3A_207 = arith.subi %parallel_loop3A_186, %parallel_loop3A_206 : i32
      %parallel_loop3A_208 = arith.select %parallel_loop3A_205, %parallel_loop3A_207, %parallel_loop3A_186 : i32
      %parallel_loop3A_209 = arith.constant 32 : i32
      %parallel_loop3A_210 = arith.muli %parallel_loop3A_208, %parallel_loop3A_209 : i32
      %parallel_loop3A_211 = arith.subi %parallel_loop3A_184, %parallel_loop3A_210 : i32
      %parallel_loop3A_212 = arith.constant 16 : i32
      %parallel_loop3A_213 = arith.muli %parallel_loop3A_211, %parallel_loop3A_212 : i32
      %parallel_loop3A_214 = arith.constant 16 : i32
      %parallel_loop3A_215 = arith.muli %parallel_loop3A_184, %parallel_loop3A_214 : i32
      %parallel_loop3A_216 = arith.index_cast %parallel_loop3A_215 : i32 to index
      %parallel_loop3A_217 = tpu.vector_load %arg8[%parallel_loop3A_216] {strides = array<i32>} : memref<13312xf32, #tpu.memory_space<vmem>>, vector<16xf32>,
      %parallel_loop3A_218 = vector.shape_cast %parallel_loop3A_217 : vector<16xf32> to vector<16xf32>
      %parallel_loop3A_219 = arith.index_cast %parallel_loop3A_208 : i32 to index
      %parallel_loop3A_220 = arith.index_cast %parallel_loop3A_213 : i32 to index
      %parallel_loop3A_221 = tpu.vector_load %arg9[%parallel_loop3A_219, %parallel_loop3A_220] {strides = array<i32>} : memref<26x512xf32, #tpu.memory_space<vmem>>, vector<1x16xf32>,
      %parallel_loop3A_222 = vector.shape_cast %parallel_loop3A_221 : vector<1x16xf32> to vector<16xf32>
      %parallel_loop3A_223 = arith.mulf %parallel_loop3A_218, %parallel_loop3A_222 : vector<16xf32>
      %parallel_loop3A_224 = arith.index_cast %parallel_loop3A_208 : i32 to index
      %parallel_loop3A_225 = arith.index_cast %parallel_loop3A_213 : i32 to index
      %parallel_loop3A_226 = tpu.vector_load %arg10[%parallel_loop3A_224, %parallel_loop3A_225] {strides = array<i32>} : memref<26x512xf32, #tpu.memory_space<vmem>>, vector<1x16xf32>,
      %parallel_loop3A_227 = vector.shape_cast %parallel_loop3A_226 : vector<1x16xf32> to vector<16xf32>
      %parallel_loop3A_228 = vector.shape_cast %parallel_loop3A_223 : vector<16xf32> to vector<1x16xf32>
      tpu.vector_store %arg10[%parallel_loop3A_224, %parallel_loop3A_225], %parallel_loop3A_228 {strides = array<i32>} : memref<26x512xf32, #tpu.memory_space<vmem>>, vector<1x16xf32>,
    } {sc.loop_unroll_factor = 8 : i64, sc.parallel_access}
    %dma_start3A_174 = arith.constant 0 : i32
    %dma_start3A_175 = tpu.memref_slice %arg5[%dma_start3A_174, %mul3A_2] : memref<26x16384xf32, #tpu.memory_space<hbm>> -> memref<26x512xf32, #tpu.memory_space<hbm>>
    %dma_start3A_176 = arith.constant 0 : i32
    %dma_start3A_177 = tpu.memref_slice %arg5[%dma_start3A_176, %mul3A_2] : memref<26x16384xf32, #tpu.memory_space<hbm>> -> memref<26x512xf32, #tpu.memory_space<hbm>>
    tpu.enqueue_dma source(%arg10 : memref<26x512xf32, #tpu.memory_space<vmem>>) target(%dma_start3A_177 : memref<26x512xf32, #tpu.memory_space<hbm>>) target_semaphore(%arg12 : memref<!tpu.dma_semaphore, #tpu.memory_space<semaphore_mem>>)
    %dma_wait3A_178 = arith.constant 0 : i32
    %dma_wait3A_179 = tpu.memref_slice %arg5[%dma_wait3A_178, %mul3A_2] : memref<26x16384xf32, #tpu.memory_space<hbm>> -> memref<26x512xf32, #tpu.memory_space<hbm>>
    %dma_wait3A_180 = arith.constant 0 : i32
    %dma_wait3A_181 = tpu.memref_slice %arg5[%dma_wait3A_180, %mul3A_2] : memref<26x16384xf32, #tpu.memory_space<hbm>> -> memref<26x512xf32, #tpu.memory_space<hbm>>
    tpu.wait_dma2 semaphore(%arg12 : memref<!tpu.dma_semaphore, #tpu.memory_space<semaphore_mem>>) src(%arg10 : memref<26x512xf32, #tpu.memory_space<vmem>>) dst(%dma_wait3A_181 : memref<26x512xf32, #tpu.memory_space<hbm>>)
    return
  }
}

</mosaic_0001>

<sc_bundles>
// kernel: kernel.3.cloned.1.call-start
scs
__scs_entry_jumppad:
0x0: {  	(pc) =	sbr.rel $0x88, $3  }
0x1: {  	(tag) =	ssettag $0x0;
	lr =	simm.s32 $0x1  }
0x2: {  	[smem:$0x3F9E] =	sst lr;
	_ =	strace $0xD0000000  }
0x3: {  	_ = 	snop  }
0x4: {  	_ = 	snop  }
0x5: {  	_ = 	snop  }
0x6: {  	_ = 	snop  }
0x7: {  	_ = 	snop  }
__scs_overlays_trampoline_lowered:
0x8: {  	[smem:$0x3FAD] =	sst s0  }
0x9: {  	[smem:$0x3FAE] =	sst s1  }
0xa: {  	[smem:$0x3FAF] =	sst s2  }
0xb: {  	[smem:$0x3FB0] =	sst s3  }
0xc: {  	[smem:$0x3FB1] =	sst s4  }
0xd: {  	[smem:$0x3FB2] =	sst s5  }
0xe: {  	[smem:$0x3FB3] =	sst s6  }
0xf: {  	[smem:$0x3FB4] =	sst s7  }
0x10: {  	[smem:$0x3FB5] =	sst s8  }
0x11: {  	[smem:$0x3FB6] =	sst s9;
	s0 =	simm.s32 @!p0 $0x0  }
0x12: {  	s1 =	sld [smem:$0x3F9C];
	s0 =	simm.s32 @p0 $0x1  }
0x13: {  	[smem:$0x3FB7] =	sst s0;
	s0 =	simm.s32 @!p1 $0x0  }
0x14: {  	s2 =	sld [smem:$0x3F9B];
	s0 =	simm.s32 @p1 $0x1  }
0x15: {  	[smem:$0x3FB8] =	sst s0;
	s0 =	simm.s32 @!p2 $0x0  }
0x16: {  	s3 =	sld [smem:$0x3FDB];
	s0 =	simm.s32 @p2 $0x1  }
0x17: {  	s4 =	simm.s32 $0x1BF5;
	[smem:$0x3FBA] =	sst s0  }
0x18: {  	s0 =	sld [smem:$0x3F9D];
	_ =	swait.ge [sflag:s4], $0x0  }
0x19: {  	s7 =	sld [smem:$0x3F9E]  }
0x1a: {  	s8 =	sadd.s32 $0xFFFFE003, lr  }
0x1b: {  	s9 =	sadd.s32 $0xFFFFFEF7, lr;
	s5 =	simm.s32 $0xFFFFFFFF;
	p2 =	slt.u32 s8, $0xFFFFF086  }
0x1c: {  	p1 =	slt.u32 s9, $0xF7A;
	s5 =	simm.s32 @!p2 $0x0  }
0x1d: {  	s5 =	simm.s32 @p1 $0x1;
	p0 =	seq.s32 s7, s2  }
0x1e: {  	s7 =	smul.u32 @!p0 $0xF7A, s2;
	p2 =	seq.s32 @!p0 s5, $0x0  }
0x1f: {  	s9 =	smul.u32 $0xF7A, s1;
	s8 =	simm.s32 @!p0 $0x1BF5;
	p2 =	por !p2, p0  }
0x20: {  	[sflag:s8] =	ssyncset.s32 @!p0 $0xFFFFF086;
	s6 =	sadd.s32 @!p0 s3, s7;
	s7 =	simm.s32 @!p0 $0x108  }
0x21: {  	s3 =	sadd.s32 s3, s9;
	s6 =	sadd.s32 @!p0 $0x88, s6;
	s7 =	simm.s32 @p2 $0x1082  }
0x22: {  	[simem:s7], [sflag:s8] =	dma.local @!p0 [hbm:s6], $0xF7A  }
0x23: {  	s9 =	sor.u32 $0xD0000000, s2;
	s6 =	simm.s32 $0x108;
	_ =	swait.ge @!p0 [sflag:s8], $0x0  }
0x24: {  	s3 =	sadd.s32 $0x88, s3;
	s6 =	simm.s32 @!p1 $0x1082;
	[sflag:s4] =	ssyncset.s32 $0xFFFFF086  }
0x25: {  	[simem:s6], [sflag:s4] =	dma.local [hbm:s3], $0xF7A  }
0x26: {  	[smem:$0x3F9E] =	sst s1;
	(tag) =	ssettag s2;
	_ =	strace s9  }
0x27: {  	s1 =	sld [smem:$0x3FAE]  }
0x28: {  	s2 =	sld [smem:$0x3FAF]  }
0x29: {  	s4 =	sld [smem:$0x3FB1]  }
0x2a: {  	p0 =	seq.s32 s5, $0x0;
	s5 =	sld [smem:$0x3FB2]  }
0x2b: {  	s6 =	sld [smem:$0x3FB3]  }
0x2c: {  	s7 =	sld [smem:$0x3FB4]  }
0x2d: {  	s3 =	simm.s32 $0x108;
	s8 =	sld [smem:$0x3FB5]  }
0x2e: {  	s3 =	simm.s32 @!p0 $0x1082;
	s9 =	sld [smem:$0x3FB6]  }
0x2f: {  	lr =	sadd.s32 s0, s3;
	s0 =	sld [smem:$0x3FAD]  }
0x30: {  	s3 =	sld [smem:$0x3FB0]  }
0x31: {  	[smem:$0x3FB9] =	sst s10  }
0x32: {  	s10 =	sld [smem:$0x3FB7];
	_ =	sdelay $0x3  }
0x33: {  	p0 =	seq.s32 s10, $0x1;
	s10 =	sld [smem:$0x3FB9];
	_ =	sdelay $0x3  }
0x34: {  	[smem:$0x3FB9] =	sst s10  }
0x35: {  	s10 =	sld [smem:$0x3FB8];
	_ =	sdelay $0x3  }
0x36: {  	p1 =	seq.s32 s10, $0x1;
	s10 =	sld [smem:$0x3FB9];
	_ =	sdelay $0x3  }
0x37: {  	[smem:$0x3FB9] =	sst s10  }
0x38: {  	s10 =	sld [smem:$0x3FBA]  }
0x39: {  	_ = 	snop;
	(pc) =	sbr.ind lr, $3  }
0x3a: {  	_ = 	snop  }
0x3b: {  	_ = 	snop  }
0x3c: {  	p2 =	seq.s32 s10, $0x1;
	s10 =	sld [smem:$0x3FB9]  }
0x3d: {  	_ =	shalt  }
0x3e: {  	_ =	shalt  }
0x3f: {  	_ =	shalt  }
0x40: {  	_ =	shalt  }
0x41: {  	_ =	shalt  }
0x42: {  	_ =	shalt  }
0x43: {  	_ =	shalt  }
0x44: {  	_ =	shalt  }
0x45: {  	_ =	shalt  }
0x46: {  	_ =	shalt  }
0x47: {  	_ =	shalt  }
0x48: {  	_ =	shalt  }
0x49: {  	_ =	shalt  }
0x4a: {  	_ =	shalt  }
0x4b: {  	_ =	shalt  }
0x4c: {  	_ =	shalt  }
0x4d: {  	_ =	shalt  }
0x4e: {  	_ =	shalt  }
0x4f: {  	_ =	shalt  }
0x50: {  	_ =	shalt  }
0x51: {  	_ =	shalt  }
0x52: {  	_ =	shalt  }
0x53: {  	_ =	shalt  }
0x54: {  	_ =	shalt  }
0x55: {  	_ =	shalt  }
0x56: {  	_ =	shalt  }
0x57: {  	_ =	shalt  }
0x58: {  	_ =	shalt  }
0x59: {  	_ =	shalt  }
0x5a: {  	_ =	shalt  }
0x5b: {  	_ =	shalt  }
0x5c: {  	_ =	shalt  }
0x5d: {  	_ =	shalt  }
0x5e: {  	_ =	shalt  }
0x5f: {  	_ =	shalt  }
0x60: {  	_ =	shalt  }
0x61: {  	_ =	shalt  }
0x62: {  	_ =	shalt  }
0x63: {  	_ =	shalt  }
0x64: {  	_ =	shalt  }
0x65: {  	_ =	shalt  }
0x66: {  	_ =	shalt  }
0x67: {  	_ =	shalt  }
0x68: {  	_ =	shalt  }
0x69: {  	_ =	shalt  }
0x6a: {  	_ =	shalt  }
0x6b: {  	_ =	shalt  }
0x6c: {  	_ =	shalt  }
0x6d: {  	_ =	shalt  }
0x6e: {  	_ =	shalt  }
0x6f: {  	_ =	shalt  }
0x70: {  	_ =	shalt  }
0x71: {  	_ =	shalt  }
0x72: {  	_ =	shalt  }
0x73: {  	_ =	shalt  }
0x74: {  	_ =	shalt  }
0x75: {  	_ =	shalt  }
0x76: {  	_ =	shalt  }
0x77: {  	_ =	shalt  }
0x78: {  	_ =	shalt  }
0x79: {  	_ =	shalt  }
0x7a: {  	_ =	shalt  }
0x7b: {  	_ =	shalt  }
0x7c: {  	_ =	shalt  }
0x7d: {  	_ =	shalt  }
0x7e: {  	_ =	shalt  }
0x7f: {  	_ =	shalt  }
0x80: {  	_ =	shalt  }
0x81: {  	_ =	shalt  }
0x82: {  	_ =	shalt  }
0x83: {  	_ =	shalt  }
0x84: {  	_ =	shalt  }
0x85: {  	_ =	shalt  }
0x86: {  	_ =	shalt  }
0x87: {  	_ =	shalt  }
.Lfunc_end0:
.L_simem_size_0:
called_computation_lowered:
.L_overlay_start_0:
0x88: {  	s2 =	sld [smem:$0x3FD9]  }
0x89: {  	s3 =	sld [smem:$0x3FFE];
	_ =	sdelay $0x1  }
0x8a: {  	s1 =	srdreg.scid  }
0x8b: {  	s0 =	sand.u32 $0x1, s1  }
0x8c: {  	s17 =	sshll.u32 s0, $0xA;
	s2 =	sadd.s32 s3, s2  }
0x8d: {  	s2 =	sadd.s32 s2, s17  }
0x8e: {  	[smem:$0x3FC5] =	sst s2  }
0x8f: {  	_ = 	snop  }
0x90: {  	s2 =	sld [smem:$0x3FC9]  }
0x91: {  	s18 =	sld [smem:$0x3FC8]  }
0x92: {  	s4 =	sld [smem:$0x3FD0];
	(tm) =	ssettm $0x1  }
0x93: {  	s5 =	sld [smem:$0x3FFB];
	_ =	sdelay $0x3  }
0x94: {  	_ =	strace s5  }
0x95: {  	s5 =	sld [smem:$0x3FFC];
	_ =	sdelay $0x3  }
0x96: {  	_ =	strace s5  }
0x97: {  	s5 =	sld [smem:$0x3FFD];
	_ =	sdelay $0x3  }
0x98: {  	_ =	strace s5  }
0x99: {  	_ =	strace $0x8FFFFFFF  }
0x9a: {  	s19 =	sld [smem:$0x3FDB];
	_ =	sdelay $0x1  }
0x9b: {  	s6 =	simm.s32 $_scs_section_size  }
0x9c: {  	s7 =	simm.s32 $_size__tile_overlayer_lowered;
	s8 =	simm.s32 $_tile_overlayer_lowered  }
0x9d: {  	s22 =	simm.s32 $0x1BFF;
	s21 =	sshll.u32 s8, $0x1;
	s5 =	sadd.s32 s6, s19  }
0x9e: {  	s9 =	simm.s32 $0x0;
	s20 =	sshll.u32 s7, $0x1;
	s7 =	sadd.s32 s21, s5  }
0x9f: {  	[timem:s9], [sflag:s22] =	dma.local [hbm:s7], s20  }
0xa0: {  	_ =	swait.ge [sflag:s22], s20  }
0xa1: {  	s6 =	ssub.s32 $0x0, s20;
	[sflag:s22] =	ssyncset.done $0x0  }
0xa2: {  	[sflag:s22] =	ssyncadd.s32 s6;
	_ =	sdelay $0x1  }
0xa3: {  	s23 =	simm.s32 $0x1B8B  }
0xa4: {  	_ =	swait.ge [sflag:s23], $0x1  }
0xa5: {  	[sflag:s23] =	ssyncset.done $0x0  }
0xa6: {  	s25 =	simm.s32 $0x1B8E;
	s24 =	sld [smem:$0x3FFE];
	[sflag:s23] =	ssyncadd.s32 $0xFFFFFFFF  }
0xa7: {  	s26 =	simm.s32 $execute0_lowered;
	[smem:$0x3FD2] =	sst s25  }
0xa8: {  	s7 =	sshll.u32 s26, $0x1;
	_ =	strace $0x80000046;
	[dreg:$0x1] =	wrdreg $0xFFFFFFFF  }
0xa9: {  	s28 =	simm.s32 $_size_execute0_lowered;
	s5 =	sadd.s32 s5, s7;
	[dreg:$0x0] =	wrdreg $0x0  }
0xaa: {  	s7 =	sshll.u32 s28, $0x1;
	[dreg:$0x2] =	wrdreg s5  }
0xab: {  	[dreg:$0x3] =	wrdreg s7  }
0xac: {  	[dreg:$0x4] =	wrdreg $0xC0  }
0xad: {  	_ =	task [dreg:s9], $0x5FFFF  }
0xae: {  	[dreg:$0x1] =	wrdreg $0xFFFFFFFF  }
0xaf: {  	[dreg:$0x0] =	wrdreg $0x60  }
0xb0: {  	[dreg:$0x2] =	wrdreg s2  }
0xb1: {  	[dreg:$0x3] =	wrdreg s18  }
0xb2: {  	[dreg:$0x4] =	wrdreg s24  }
0xb3: {  	[dreg:$0x5] =	wrdreg s4  }
0xb4: {  	[dreg:$0x6] =	wrdreg $0x9  }
0xb5: {  	_ =	task.clear_ibuf [dreg:s9], $0x7FFFF;
	_ =	strace $0x90000046  }
0xb6: {  	s29 =	simm.s32 $0x9;
	_ =	strace $0x80000048  }
0xb7: {  	_ =	swait.ge [sflag:s29], $0x1  }
0xb8: {  	[sflag:s29] =	ssyncadd.s32 $0xFFFFFFFF  }
0xb9: {  	_ =	strace $0x90000048  }
0xba: {  	_ =	sfence  }
0xbb: {  	s30 =	sld [smem:$0x0];
	_ =	sdelay $0x2  }
0xbc: {  	s31 =	sshll.u32 s1, $0xD;
	s1 =	sshrl.u32 s1, $0x2  }
0xbd: {  	s3 =	sand.u32 $0x4000, s31;
	s1 =	sadd.s32 s1, s30  }
0xbe: {  	s0 =	sor.u32 s3, s0;
	s1 =	sshll.u32 s1, $0x11  }
0xbf: {  	s0 =	sor.u32 s1, s0  }
0xc0: {  	s0 =	sadd.s32 $0x8F2B, s0  }
0xc1: {  	[sflag:s0] =	ssyncadd.remote.s32 $0x1  }
0xc2: {  	_ =	sfence.sel $0xFFFF  }
0xc3: {  	[dreg:$0x0] =	wrdreg $0xFFFFFFFF;
	(pc) =	sbr.abs _section_cstart, $3  }
0xc4: {  	[dreg:$0x1] =	wrdreg $0xFFFFFFFF  }
0xc5: {  	_ =	task.clear_ibuf [dreg:s9], $0x2FFFF;
	_ =	strace $0x9FFFFFFF  }
0xc6: {  	(tm) =	ssettm $0x7FFFFFFF  }
0xc7: {  	_ =	shalt  }
tec
execute0_lowered:
.L_overlay_start_1:
0x0: {  	(tag) =	ssettag $0x1  }
0x1: {  	s0 =	rddreg [dreg:$0x0]  }
0x2: {  	s2 =	rddreg [dreg:$0x1]  }
0x3: {  	s1 =	rddreg [dreg:$0x2]  }
0x4: {  	s3 =	rddreg [dreg:$0x3];
	s4 =	srdreg.scid  }
0x5: {  	s5 =	simm.s32 $0x0;
	s6 =	stileid.u32;
	s4 =	sand.u32 $0x1, s4  }
0x6: {  	s6 =	sshll.u32 s6, $0xA;
	s29 =	ssub.s32 $0x2, s4;
	s4 =	sshll.u32 s4, $0x9  }
0x7: {  	s10 =	simm.s32 $0x1000;
	[smem:$0x7FF] =	sst s5;
	s4 =	sor.u32 s4, s6  }
0x8: {  	s12 =	simm.s32 $0x20000;
	_ =	strace $0x80000047;
	s2 =	sadd.s32 s2, s4  }
0x9: {  	s7 =	sshrl.u32 s29, $0x1;
	s0 =	sadd.s32 s0, s4;
	[dreg:$0x5] =	wrdreg s2  }
0xa: {  	s5 =	ssub.s32 s29, s7;
	s30 =	sadd.s32 s3, s4;
	[dreg:$0x6] =	wrdreg s0  }
0xb: {  	s13 =	simm.s32 $0xA;
	[dreg:$0x7] =	wrdreg s30;
	s31 =	smax.u32 s5, $0x1  }
0xc: {  	s11 =	simm.s32 $0x680;
	s17 =	simm.s32 $0x0;
	[dreg:$0x8] =	wrdreg s31  }
.LBB2_1:
0xd: {  	s0 =	simm.s32 $0x0;
	s2 =	rddreg [dreg:$0x5];
	s3 =	simm.s32 $0x0  }
0xe: {  	[tilespmem:s0], [sflag:$0xA] =	stream.strided.gather [hbm4b:s2+s10], $0x4000, s12, s10, $0x38;
	[tilespmem:$0x12800] =	vst v63  }
0xf: {  	s3 =	smul.u32 $0xFFFFC200, s3  }
0x10: {  	_ =	swait.ge [sflag:s13], $0x4000  }
0x11: {  	[sflag:s13] =	ssyncset.done $0x0;
	s3 =	sshra.s32 s3, $0x2  }
0x12: {  	[sflag:s13] =	ssyncadd.s32 $0xFFFFC000;
	s5 =	sadd.s32 $0x0, s3  }
0x13: {  	v0 =	vld [tilespmem:s5+$0x70]  }
0x14: {  	v1 =	vld [tilespmem:s5+$0x0]  }
0x15: {  	v2 =	vld [tilespmem:s5+$0x10]  }
0x16: {  	s4 =	simm.s32 $0x0;
	v5 =	vld [tilespmem:s5+$0x20]  }
0x17: {  	s4 =	smul.u32 $0xFFFFC200, s4;
	s3 =	simm.s32 $0x4040;
	v6 =	vld [tilespmem:s5+$0x30]  }
0x18: {  	v7 =	vld [tilespmem:s5+$0x40];
	[tilespmem:s3+$0x30] =	vst v0  }
0x19: {  	s4 =	sshra.s32 s4, $0x2;
	v3 =	vld [tilespmem:s5+$0x50];
	[tilespmem:s3+$0xFFFFFFC0] =	vst v1  }
0x1a: {  	s4 =	sadd.s32 $0x400, s4;
	v4 =	vld [tilespmem:s5+$0x60];
	[tilespmem:s3+$0xFFFFFFD0] =	vst v2  }
0x1b: {  	v0 =	vld [tilespmem:s4+$0x70];
	[tilespmem:s3+$0xFFFFFFE0] =	vst v5  }
0x1c: {  	v1 =	vld [tilespmem:s4+$0x0];
	[tilespmem:s3+$0xFFFFFFF0] =	vst v6  }
0x1d: {  	s6 =	simm.s32 $0x400;
	s7 =	simm.s32 $0x10;
	s5 =	simm.s32 $0x8;
	v2 =	vld [tilespmem:s4+$0x10];
	[tilespmem:s3+$0x0] =	vst v7  }
.LBB2_2:
0x1e: {  	s8 =	sshrl.u32 s7, $0x5;
	s5 =	sadd.s32 $0x8, s5;
	v5 =	vld [tilespmem:s4+$0x20];
	[tilespmem:s3+$0x10] =	vst v3  }
0x1f: {  	s8 =	smul.u32 $0xFFFFC200, s8;
	p0 =	slt.u32 s5, $0x60;
	v6 =	vld [tilespmem:s4+$0x30];
	[tilespmem:s3+$0x20] =	vst v4;
	s3 =	sadd.s32 $0x80, s3  }
0x20: {  	v7 =	vld [tilespmem:s4+$0x40];
	[tilespmem:s3+$0x30] =	vst v0  }
.Ltmp0:
0x21: {  	s6 =	sadd.s32 $0x400, s6;
	s8 =	sshra.s32 s8, $0x2;
	[tilespmem:s3+$0xFFFFFFC0] =	vst v1;
	v3 =	vld [tilespmem:s4+$0x50];
	(pc) =	sbr.rel @p0 .LBB2_2-.Ltmp0, $4  }
0x22: {  	[tilespmem:s3+$0xFFFFFFD0] =	vst v2;
	v4 =	vld [tilespmem:s4+$0x60];
	s4 =	sadd.s32 s8, s6  }
0x23: {  	v0 =	vld [tilespmem:s4+$0x70];
	[tilespmem:s3+$0xFFFFFFE0] =	vst v5  }
0x24: {  	v1 =	vld [tilespmem:s4+$0x0];
	[tilespmem:s3+$0xFFFFFFF0] =	vst v6  }
0x25: {  	s7 =	sadd.s32 $0x8, s7;
	v2 =	vld [tilespmem:s4+$0x10];
	[tilespmem:s3+$0x0] =	vst v7  }
0x26: {  	v5 =	vld [tilespmem:s4+$0x20];
	[tilespmem:s3+$0x10] =	vst v3  }
0x27: {  	v3 =	vld [tilespmem:s4+$0x30];
	s24 =	sadd.s32 $0x80, s3;
	[tilespmem:s3+$0x20] =	vst v4  }
0x28: {  	v4 =	vld [tilespmem:s4+$0x40];
	[tilespmem:s24+$0x30] =	vst v0  }
0x29: {  	v0 =	vld [tilespmem:s4+$0x50];
	[tilespmem:s24+$0xFFFFFFC0] =	vst v1  }
0x2a: {  	s25 =	simm.s32 $0x1A00;
	s26 =	simm.s32 $0x680;
	v1 =	vld [tilespmem:s4+$0x60];
	[tilespmem:s24+$0xFFFFFFD0] =	vst v2  }
0x2b: {  	s5 =	simm.s32 $0xD000;
	s3 =	sand.u32 $0xFFFFC000, s25;
	s4 =	sand.u32 $0xE00, s26;
	[tilespmem:s24+$0xFFFFFFE0] =	vst v5  }
0x2c: {  	s28 =	sand.u32 $0xFFFFC000, s5;
	s3 =	sor.u32 s4, s3;
	[tilespmem:s24+$0xFFFFFFF0] =	vst v3  }
0x2d: {  	s3 =	ssub.s32 s3, s28;
	[tilespmem:s24+$0x0] =	vst v4  }
0x2e: {  	s3 =	sshra.s32 s3, $0x2;
	[tilespmem:s24+$0x10] =	vst v0  }
0x2f: {  	s0 =	simm.s32 $0x4000;
	s2 =	simm.s32 $0x7400;
	s29 =	sadd.s32 $0x3470, s3;
	[tilespmem:s24+$0x20] =	vst v1  }
0x30: {  	[tilespmem:s2], [sflag:$0x1] =	stream.indirect.gather [hbm4b:s1+s11], $0x1, s0, s11, $0xb8;
	[tilespmem:$0x12800] =	vst v63  }
0x31: {  	v0 =	vld [tilespmem:s29+$0x0]  }
0x32: {  	v3 =	vld [tilespmem:s29+$0xFFFFFF90]  }
0x33: {  	s30 =	simm.s32 $0x1C00;
	s31 =	simm.s32 $0x700;
	v4 =	vld [tilespmem:s29+$0xFFFFFFA0]  }
0x34: {  	s6 =	simm.s32 $0xE000;
	s7 =	sand.u32 $0xFFFFC000, s30;
	s4 =	sand.u32 $0xE00, s31;
	v5 =	vld [tilespmem:s29+$0xFFFFFFB0]  }
0x35: {  	s6 =	sand.u32 $0xFFFFC000, s6;
	s4 =	sor.u32 s4, s7;
	s3 =	simm.s32 $0x46F0;
	v2 =	vld [tilespmem:s29+$0xFFFFFFC0]  }
0x36: {  	s4 =	ssub.s32 s4, s6;
	v1 =	vld [tilespmem:s29+$0xFFFFFFD0];
	[tilespmem:s3+$0x0] =	vst v0  }
0x37: {  	s4 =	sshra.s32 s4, $0x2;
	[tilespmem:s3+$0xFFFFFF90] =	vst v3;
	v3 =	vld [tilespmem:s29+$0xFFFFFFE0]  }
0x38: {  	s4 =	sadd.s32 $0x3870, s4;
	[tilespmem:s3+$0xFFFFFFA0] =	vst v4;
	v4 =	vld [tilespmem:s29+$0xFFFFFFF0]  }
0x39: {  	s5 =	simm.s32 $0x70;
	s7 =	simm.s32 $0x78;
	s6 =	simm.s32 $0x3870;
	v0 =	vld [tilespmem:s4+$0x0];
	[tilespmem:s3+$0xFFFFFFB0] =	vst v5  }
.LBB2_4:
0x3a: {  	s8 =	sshll.u32 s7, $0x9;
	v5 =	vld [tilespmem:s4+$0xFFFFFF90];
	[tilespmem:s3+$0xFFFFFFC0] =	vst v2;
	s9 =	sshll.u32 s7, $0x6  }
0x3b: {  	s15 =	sshll.u32 s7, $0x4;
	s5 =	sadd.s32 $0x8, s5;
	v6 =	vld [tilespmem:s4+$0xFFFFFFA0];
	[tilespmem:s3+$0xFFFFFFD0] =	vst v1;
	s9 =	sand.u32 $0xFFFFC000, s9  }
0x3c: {  	s15 =	sand.u32 $0xE00, s15;
	p0 =	slt.u32 s5, $0x338;
	s8 =	sand.u32 $0xFFFFC000, s8;
	v7 =	vld [tilespmem:s4+$0xFFFFFFB0];
	[tilespmem:s3+$0xFFFFFFE0] =	vst v3  }
.Ltmp1:
0x3d: {  	s9 =	sor.u32 s15, s9;
	v2 =	vld [tilespmem:s4+$0xFFFFFFC0];
	[tilespmem:s3+$0xFFFFFFF0] =	vst v4;
	s3 =	sadd.s32 $0x80, s3;
	(pc) =	sbr.rel @p0 .LBB2_4-.Ltmp1, $4  }
0x3e: {  	s8 =	ssub.s32 s9, s8;
	v1 =	vld [tilespmem:s4+$0xFFFFFFD0];
	[tilespmem:s3+$0x0] =	vst v0  }
0x3f: {  	s6 =	sadd.s32 $0x400, s6;
	s8 =	sshra.s32 s8, $0x2;
	[tilespmem:s3+$0xFFFFFF90] =	vst v5;
	v3 =	vld [tilespmem:s4+$0xFFFFFFE0]  }
0x40: {  	[tilespmem:s3+$0xFFFFFFA0] =	vst v6;
	v4 =	vld [tilespmem:s4+$0xFFFFFFF0];
	s4 =	sadd.s32 s8, s6  }
0x41: {  	s7 =	sadd.s32 $0x8, s7;
	v0 =	vld [tilespmem:s4+$0x0];
	[tilespmem:s3+$0xFFFFFFB0] =	vst v7  }
0x42: {  	v5 =	vld [tilespmem:s4+$0xFFFFFF90];
	[tilespmem:s3+$0xFFFFFFC0] =	vst v2  }
0x43: {  	v2 =	vld [tilespmem:s4+$0xFFFFFFA0];
	[tilespmem:s3+$0xFFFFFFD0] =	vst v1  }
0x44: {  	v1 =	vld [tilespmem:s4+$0xFFFFFFB0];
	[tilespmem:s3+$0xFFFFFFE0] =	vst v3  }
0x45: {  	s9 =	sadd.s32 $0x80, s3;
	v3 =	vld [tilespmem:s4+$0xFFFFFFC0];
	[tilespmem:s3+$0xFFFFFFF0] =	vst v4  }
0x46: {  	v4 =	vld [tilespmem:s4+$0xFFFFFFD0];
	[tilespmem:s9+$0x0] =	vst v0  }
0x47: {  	v0 =	vld [tilespmem:s4+$0xFFFFFFE0];
	[tilespmem:s9+$0xFFFFFF90] =	vst v5  }
0x48: {  	[tilespmem:s9+$0xFFFFFFA0] =	vst v2;
	v2 =	vld [tilespmem:s4+$0xFFFFFFF0]  }
0x49: {  	[tilespmem:s9+$0xFFFFFFB0] =	vst v1  }
0x4a: {  	[tilespmem:s9+$0xFFFFFFC0] =	vst v3  }
0x4b: {  	[tilespmem:s9+$0xFFFFFFD0] =	vst v4  }
0x4c: {  	[tilespmem:s9+$0xFFFFFFE0] =	vst v0  }
0x4d: {  	s0 =	simm.s32 $0x4680;
	s2 =	simm.s32 $0x7A80;
	[tilespmem:s9+$0xFFFFFFF0] =	vst v2  }
0x4e: {  	[tilespmem:s2], [sflag:$0x2] =	stream.indirect.gather [hbm4b:s1+s11], $0x1, s0, s11, $0xb8;
	[tilespmem:$0x12800] =	vst v63  }
0x4f: {  	s14 =	simm.s32 $0x4D00;
	s15 =	simm.s32 $0x8100  }
0x50: {  	[tilespmem:s15], [sflag:$0x3] =	stream.indirect.gather [hbm4b:s1+s11], $0x1, s14, s11, $0xb8;
	[tilespmem:$0x12800] =	vst v63  }
0x51: {  	s16 =	simm.s32 $0x5380;
	s18 =	simm.s32 $0x8780  }
0x52: {  	[tilespmem:s18], [sflag:$0x4] =	stream.indirect.gather [hbm4b:s1+s11], $0x1, s16, s11, $0xb8;
	[tilespmem:$0x12800] =	vst v63  }
0x53: {  	s19 =	simm.s32 $0x5A00;
	s20 =	simm.s32 $0x8E00  }
0x54: {  	[tilespmem:s20], [sflag:$0x5] =	stream.indirect.gather [hbm4b:s1+s11], $0x1, s19, s11, $0xb8;
	[tilespmem:$0x12800] =	vst v63  }
0x55: {  	s21 =	simm.s32 $0x6080;
	s22 =	simm.s32 $0x9480  }
0x56: {  	[tilespmem:s22], [sflag:$0x6] =	stream.indirect.gather [hbm4b:s1+s11], $0x1, s21, s11, $0xb8;
	[tilespmem:$0x12800] =	vst v63  }
0x57: {  	s23 =	simm.s32 $0x6700;
	s24 =	simm.s32 $0x9B00  }
0x58: {  	[tilespmem:s24], [sflag:$0x7] =	stream.indirect.gather [hbm4b:s1+s11], $0x1, s23, s11, $0xb8;
	[tilespmem:$0x12800] =	vst v63  }
0x59: {  	s25 =	simm.s32 $0x6D80;
	s26 =	simm.s32 $0xA180  }
0x5a: {  	[tilespmem:s26], [sflag:$0x8] =	stream.indirect.gather [hbm4b:s1+s11], $0x1, s25, s11, $0xb8;
	[tilespmem:$0x12800] =	vst v63  }
0x5b: {  	s28 =	rddreg [dreg:$0x6];
	s18 =	simm.s32 $0xA800  }
0x5c: {  	[tilespmem:s18], [sflag:$0xA] =	stream.strided.gather [hbm4b:s28+s10], $0x4000, s12, s10, $0x38;
	[tilespmem:$0x12800] =	vst v63  }
0x5d: {  	_ =	swait.ge [sflag:s13], $0x4000  }
0x5e: {  	[sflag:s13] =	ssyncset.done $0x0  }
0x5f: {  	s29 =	simm.s32 $0x0;
	s30 =	simm.s32 $0x1;
	[sflag:s13] =	ssyncadd.s32 $0xFFFFC000  }
0x60: {  	s31 =	smul.u32 $0xFFFFC200, s29;
	_ =	swait.ge [sflag:s30], $0x680  }
0x61: {  	[sflag:s30] =	ssyncset.done $0x0  }
0x62: {  	s3 =	simm.s32 $0x7440;
	s4 =	sshra.s32 s31, $0x2;
	[sflag:s30] =	ssyncadd.s32 $0xFFFFF980  }
0x63: {  	s5 =	sadd.s32 $0xA800, s4;
	v7 =	vld [tilespmem:s3+$0x30]  }
0x64: {  	v8 =	vld [tilespmem:s5+$0x70]  }
0x65: {  	v6 =	vld [tilespmem:s5+$0x0]  }
0x66: {  	v5 =	vld [tilespmem:s5+$0x10]  }
0x67: {  	v4 =	vld [tilespmem:s5+$0x20]  }
0x68: {  	v3 =	vld [tilespmem:s5+$0x30]  }
0x69: {  	v1 =	vld [tilespmem:s5+$0x40]  }
0x6a: {  	v2 =	vld [tilespmem:s5+$0x50]  }
0x6b: {  	v0 =	vld [tilespmem:s5+$0x60]  }
0x6c: {  	v9 =	vld [tilespmem:s3+$0xFFFFFFC0];
	v7 =	vmul.f32 v8, v7  }
0x6d: {  	s4 =	sadd.s32 $0xE800, s4;
	v8 =	vld [tilespmem:s3+$0xFFFFFFD0]  }
0x6e: {  	s6 =	simm.s32 $0x0;
	s7 =	simm.s32 $0x8;
	s5 =	simm.s32 $0xE800;
	[tilespmem:s4+$0x70] =	vst v7;
	v7 =	vld [tilespmem:s3+$0xFFFFFFE0]  }
.LBB2_6:
0x6f: {  	s8 =	sshrl.u32 s7, $0x5;
	s6 =	sadd.s32 $0x8, s6;
	v10 =	vld [tilespmem:s3+$0xFFFFFFF0]  }
0x70: {  	s8 =	smul.u32 $0xFFFFC200, s8;
	p0 =	slt.u32 s6, $0x60;
	v11 =	vld [tilespmem:s3+$0x0]  }
0x71: {  	v6 =	vmul.f32 v6, v9;
	v9 =	vld [tilespmem:s3+$0x10]  }
0x72: {  	s18 =	sadd.s32 $0x400, s18;
	s8 =	sshra.s32 s8, $0x2;
	v5 =	vmul.f32 v5, v8;
	v8 =	vld [tilespmem:s3+$0x20];
	s3 =	sadd.s32 $0x80, s3  }
0x73: {  	s9 =	sadd.s32 s8, s18;
	v12 =	vld [tilespmem:s3+$0x30];
	[tilespmem:s4+$0x0] =	vst v6;
	v4 =	vmul.f32 v4, v7  }
0x74: {  	v7 =	vld [tilespmem:s9+$0x70];
	[tilespmem:s4+$0x10] =	vst v5;
	v3 =	vmul.f32 v3, v10  }
0x75: {  	v6 =	vld [tilespmem:s9+$0x0];
	[tilespmem:s4+$0x20] =	vst v4;
	v1 =	vmul.f32 v1, v11  }
0x76: {  	v5 =	vld [tilespmem:s9+$0x10];
	[tilespmem:s4+$0x30] =	vst v3;
	v2 =	vmul.f32 v2, v9  }
0x77: {  	v4 =	vld [tilespmem:s9+$0x20];
	[tilespmem:s4+$0x40] =	vst v1;
	v0 =	vmul.f32 v0, v8  }
0x78: {  	v3 =	vld [tilespmem:s9+$0x30];
	[tilespmem:s4+$0x50] =	vst v2  }
0x79: {  	s5 =	sadd.s32 $0x400, s5;
	v1 =	vld [tilespmem:s9+$0x40];
	v7 =	vmul.f32 v7, v12;
	[tilespmem:s4+$0x60] =	vst v0  }
.Ltmp2:
0x7a: {  	s4 =	sadd.s32 s8, s5;
	v2 =	vld [tilespmem:s9+$0x50];
	(pc) =	sbr.rel @p0 .LBB2_6-.Ltmp2, $4  }
0x7b: {  	v0 =	vld [tilespmem:s9+$0x60];
	[tilespmem:s4+$0x70] =	vst v7  }
0x7c: {  	v9 =	vld [tilespmem:s3+$0xFFFFFFC0]  }
0x7d: {  	v8 =	vld [tilespmem:s3+$0xFFFFFFD0]  }
0x7e: {  	s7 =	sadd.s32 $0x8, s7;
	v7 =	vld [tilespmem:s3+$0xFFFFFFE0]  }
0x7f: {  	v10 =	vld [tilespmem:s3+$0xFFFFFFF0]  }
0x80: {  	v11 =	vld [tilespmem:s3+$0x0]  }
0x81: {  	v6 =	vmul.f32 v6, v9;
	v9 =	vld [tilespmem:s3+$0x10]  }
0x82: {  	v5 =	vmul.f32 v5, v8;
	v8 =	vld [tilespmem:s3+$0x20]  }
0x83: {  	[tilespmem:s4+$0x0] =	vst v6;
	v4 =	vmul.f32 v4, v7  }
0x84: {  	[tilespmem:s4+$0x10] =	vst v5;
	v3 =	vmul.f32 v3, v10  }
0x85: {  	v1 =	vmul.f32 v1, v11;
	[tilespmem:s4+$0x20] =	vst v4  }
0x86: {  	[tilespmem:s4+$0x30] =	vst v3;
	v2 =	vmul.f32 v2, v9  }
0x87: {  	[tilespmem:s4+$0x40] =	vst v1;
	v0 =	vmul.f32 v0, v8  }
0x88: {  	s0 =	simm.s32 $0x2;
	s18 =	simm.s32 $0x0;
	[tilespmem:s4+$0x50] =	vst v2  }
0x89: {  	s19 =	simm.s32 $0x7AF0;
	s20 =	simm.s32 $0x11C00;
	s12 =	simm.s32 $0x3;
	[tilespmem:s4+$0x60] =	vst v0  }
0x8a: {  	s21 =	simm.s32 $0x0;
	s13 =	simm.s32 $0x780;
	_ =	swait.ge [sflag:s0], $0x680  }
0x8b: {  	s5 =	simm.s32 $0x1BC;
	s6 =	simm.s32 $0x480;
	[sflag:s0] =	ssyncset.done $0x0  }
0x8c: {  	s5 =	sand.u32 $0xFFFFFF80, s5;
	s4 =	sand.u32 $0xFFFFFC00, s13;
	[sflag:s0] =	ssyncadd.s32 $0xFFFFF980  }
0x8d: {  	s7 =	simm.s32 $0x500;
	s14 =	simm.s32 $0x580;
	s8 =	sadd.s32 s5, s4;
	v7 =	vld [tilespmem:s19+$0x0]  }
0x8e: {  	s16 =	simm.s32 $0x600;
	s9 =	simm.s32 $0x680;
	s15 =	simm.s32 $0x700;
	v8 =	vld [tilespmem:s8+$0xA870]  }
0x8f: {  	s22 =	simm.s32 $0x1A4;
	s23 =	simm.s32 $0x1A8;
	s24 =	simm.s32 $0x1AC;
	v0 =	vld [tilespmem:s19+$0xFFFFFF90]  }
0x90: {  	s25 =	simm.s32 $0x1B0;
	s26 =	simm.s32 $0x1B4;
	s28 =	simm.s32 $0x1B8;
	v1 =	vld [tilespmem:s19+$0xFFFFFFA0]  }
0x91: {  	s6 =	sand.u32 $0xFFFFFC00, s6;
	s7 =	sand.u32 $0xFFFFFC00, s7;
	s29 =	sand.u32 $0xFFFFFC00, s14;
	v2 =	vld [tilespmem:s19+$0xFFFFFFB0]  }
0x92: {  	s30 =	sand.u32 $0xFFFFFC00, s16;
	s9 =	sand.u32 $0xFFFFFC00, s9;
	s15 =	sand.u32 $0xFFFFFC00, s15;
	v3 =	vld [tilespmem:s19+$0xFFFFFFC0]  }
0x93: {  	s22 =	sand.u32 $0xFFFFFF80, s22;
	s23 =	sand.u32 $0xFFFFFF80, s23;
	s24 =	sand.u32 $0xFFFFFF80, s24;
	v4 =	vld [tilespmem:s19+$0xFFFFFFD0]  }
0x94: {  	s25 =	sand.u32 $0xFFFFFF80, s25;
	s26 =	sand.u32 $0xFFFFFF80, s26;
	s3 =	smul.u32 $0xFFFFC200, s12;
	v5 =	vld [tilespmem:s19+$0xFFFFFFE0]  }
0x95: {  	s28 =	sand.u32 $0xFFFFFF80, s28;
	s6 =	sadd.s32 s22, s6;
	s4 =	sadd.s32 s23, s7;
	v6 =	vld [tilespmem:s19+$0xFFFFFFF0]  }
0x96: {  	s22 =	simm.s32 $0x70;
	s31 =	sshra.s32 s3, $0x2;
	s3 =	sadd.s32 s25, s30;
	v9 =	vld [tilespmem:s4+$0xA820];
	v8 =	vmul.f32 v8, v7  }
0x97: {  	s25 =	sadd.s32 s26, s9;
	s26 =	sadd.s32 s28, s15;
	s5 =	sadd.s32 s24, s29;
	v7 =	vld [tilespmem:s6+$0xA810]  }
0x98: {  	s7 =	sadd.s32 $0xDC00, s31;
	s24 =	sadd.s32 $0x11C00, s31;
	s23 =	simm.s32 $0xE000;
	[tilespmem:s8+$0xE870] =	vst v8;
	v8 =	vld [tilespmem:s5+$0xA830]  }
.LBB2_8:
0x99: {  	s8 =	sshrl.u32 s22, $0x5;
	s20 =	sadd.s32 $0x400, s20  }
0x9a: {  	v10 =	vld [tilespmem:s3+$0xA840];
	s9 =	smov.u32 s21;
	s21 =	sadd.s32 $0x8, s21;
	s18 =	sadd.s32 $0x400, s18  }
0x9b: {  	s19 =	sadd.s32 $0x80, s19;
	s15 =	sshll.u32 s8, $0xC;
	p0 =	slt.u32 s21, $0x60;
	v11 =	vld [tilespmem:s25+$0xA850]  }
0x9c: {  	s8 =	smul.u32 $0xFFFFC200, s8;
	s9 =	sshll.u32 s9, $0x2;
	s15 =	ssub.s32 s18, s15;
	v1 =	vmul.f32 v7, v1;
	v7 =	vld [tilespmem:s26+$0xA860]  }
0x9d: {  	s30 =	sadd.s32 $0x1DC, s9;
	s28 =	sadd.s32 $0x3480, s15;
	s29 =	sadd.s32 $0x3780, s15;
	v12 =	vld [tilespmem:s7+$0x0];
	v2 =	vmul.f32 v9, v2  }
0x9e: {  	s31 =	sadd.s32 $0x1C8, s9;
	s7 =	sand.u32 $0xFFFFFC00, s29;
	s29 =	sand.u32 $0xFFFFFF80, s30;
	[tilespmem:s6+$0xE810] =	vst v1;
	v1 =	vmul.f32 v8, v3  }
0x9f: {  	s6 =	sadd.s32 $0x3500, s15;
	s30 =	sadd.s32 $0x3580, s15;
	v8 =	vld [tilespmem:s19+$0x0];
	s7 =	sadd.s32 s29, s7;
	[tilespmem:s4+$0xE820] =	vst v2;
	v2 =	vmul.f32 v10, v4  }
0xa0: {  	s4 =	sadd.s32 $0x3600, s15;
	s29 =	sadd.s32 $0x3680, s15;
	s15 =	sadd.s32 $0x3700, s15;
	v9 =	vld [tilespmem:s7+$0xA870];
	[tilespmem:s5+$0xE830] =	vst v1;
	v3 =	vmul.f32 v11, v5  }
0xa1: {  	s0 =	sadd.s32 $0x1CC, s9;
	s2 =	sadd.s32 $0x1D4, s9;
	s5 =	sadd.s32 $0x1C4, s9;
	v10 =	vld [tilespmem:s19+$0xFFFFFF90];
	[tilespmem:s3+$0xE840] =	vst v2;
	v4 =	vmul.f32 v7, v6  }
0xa2: {  	s8 =	sshra.s32 s8, $0x2;
	s3 =	sadd.s32 $0x1D0, s9;
	s9 =	sadd.s32 $0x1D8, s9;
	v1 =	vld [tilespmem:s19+$0xFFFFFFA0];
	v0 =	vmul.f32 v12, v0;
	[tilespmem:s25+$0xE850] =	vst v3  }
0xa3: {  	s30 =	sand.u32 $0xFFFFFC00, s30;
	s25 =	sand.u32 $0xFFFFFC00, s28;
	s28 =	sand.u32 $0xFFFFFC00, s6;
	v2 =	vld [tilespmem:s19+$0xFFFFFFB0];
	[tilespmem:s26+$0xE860] =	vst v4  }
0xa4: {  	s29 =	sand.u32 $0xFFFFFC00, s29;
	s15 =	sand.u32 $0xFFFFFC00, s15;
	s26 =	sand.u32 $0xFFFFFC00, s4;
	v3 =	vld [tilespmem:s19+$0xFFFFFFC0];
	[tilespmem:s24+$0x0] =	vst v0  }
0xa5: {  	s0 =	sand.u32 $0xFFFFFF80, s0;
	s4 =	sand.u32 $0xFFFFFF80, s5;
	s5 =	sand.u32 $0xFFFFFF80, s31;
	v4 =	vld [tilespmem:s19+$0xFFFFFFD0];
	v7 =	vmul.f32 v9, v8  }
.Ltmp3:
0xa6: {  	s2 =	sand.u32 $0xFFFFFF80, s2;
	s3 =	sand.u32 $0xFFFFFF80, s3;
	v5 =	vld [tilespmem:s19+$0xFFFFFFE0];
	(pc) =	sbr.rel @p0 .LBB2_8-.Ltmp3, $4  }
0xa7: {  	s9 =	sand.u32 $0xFFFFFF80, s9;
	s6 =	sadd.s32 s4, s25;
	s4 =	sadd.s32 s5, s28;
	v0 =	vmov v10;
	v6 =	vld [tilespmem:s19+$0xFFFFFFF0];
	[tilespmem:s7+$0xE870] =	vst v7  }
0xa8: {  	s5 =	sadd.s32 s0, s30;
	s3 =	sadd.s32 s3, s26;
	s25 =	sadd.s32 s2, s29;
	v7 =	vld [tilespmem:s6+$0xA810]  }
0xa9: {  	s24 =	sadd.s32 s8, s20;
	s26 =	sadd.s32 s9, s15;
	s7 =	sadd.s32 s8, s23;
	v9 =	vld [tilespmem:s4+$0xA820]  }
0xaa: {  	s22 =	sadd.s32 $0x8, s22;
	s23 =	sadd.s32 $0x400, s23;
	v8 =	vld [tilespmem:s5+$0xA830]  }
0xab: {  	v10 =	vld [tilespmem:s3+$0xA840]  }
0xac: {  	v12 =	vld [tilespmem:s7+$0x0]  }
0xad: {  	v11 =	vld [tilespmem:s25+$0xA850];
	s0 =	simm.s32 $0x3;
	s18 =	simm.s32 $0x8170;
	s2 =	simm.s32 $0xD10;
	v1 =	vmul.f32 v7, v1  }
0xae: {  	s29 =	simm.s32 $0xD40;
	s30 =	simm.s32 $0xD50;
	s31 =	simm.s32 $0x6800;
	v7 =	vld [tilespmem:s26+$0xA860];
	v2 =	vmul.f32 v9, v2  }
0xaf: {  	s8 =	simm.s32 $0xD60;
	s15 =	simm.s32 $0xD70;
	s20 =	simm.s32 $0x35C;
	[tilespmem:s6+$0xE810] =	vst v1;
	v1 =	vmul.f32 v8, v3  }
0xb0: {  	s14 =	simm.s32 $0xD00;
	s21 =	simm.s32 $0x340;
	s22 =	simm.s32 $0x348;
	[tilespmem:s4+$0xE820] =	vst v2;
	v2 =	vmul.f32 v10, v4  }
0xb1: {  	s23 =	simm.s32 $0x34C;
	s2 =	sand.u32 $0x1000, s2;
	s15 =	sand.u32 $0x1000, s15;
	v0 =	vmul.f32 v12, v0;
	[tilespmem:s5+$0xE830] =	vst v1  }
0xb2: {  	s20 =	sand.u32 $0x380, s20;
	s7 =	sand.u32 $0x1000, s30;
	s8 =	sand.u32 $0x1000, s8;
	v1 =	vmul.f32 v11, v5;
	[tilespmem:s3+$0xE840] =	vst v2  }
0xb3: {  	s30 =	sand.u32 $0x380, s23;
	s6 =	sand.u32 $0x1000, s29;
	s29 =	simm.s32 $0x354;
	v2 =	vmul.f32 v7, v6;
	[tilespmem:s24+$0x0] =	vst v0  }
0xb4: {  	s24 =	simm.s32 $0x344;
	s3 =	sand.u32 $0xFFFFF000, s31;
	s31 =	simm.s32 $0x358;
	[tilespmem:s25+$0xE850] =	vst v1  }
0xb5: {  	s25 =	simm.s32 $0xD20;
	s9 =	ssub.s32 $0x0, s3;
	[tilespmem:s26+$0xE860] =	vst v2;
	s26 =	simm.s32 $0xD30  }
0xb6: {  	s4 =	sand.u32 $0x1000, s25;
	s19 =	sadd.s32 $0x6B80, s9;
	s1 =	sadd.s32 $0x6880, s9  }
0xb7: {  	s10 =	sadd.s32 $0x6900, s9;
	s12 =	sadd.s32 $0x6980, s9;
	s13 =	sadd.s32 $0x6A00, s9  }
0xb8: {  	s16 =	sadd.s32 $0x6A80, s9;
	s9 =	sadd.s32 $0x6B00, s9;
	s25 =	simm.s32 $0x350  }
0xb9: {  	_ =	swait.ge [sflag:s0], $0x680;
	s5 =	sand.u32 $0x1000, s26;
	s19 =	sand.u32 $0xFFFFFC00, s19  }
0xba: {  	s9 =	sand.u32 $0xFFFFFC00, s9;
	[sflag:s0] =	ssyncset.done $0x0;
	s15 =	sadd.s32 s15, s19  }
0xbb: {  	s19 =	sand.u32 $0xFFFFFC00, s1;
	s8 =	sadd.s32 s8, s9;
	[sflag:s0] =	ssyncadd.s32 $0xFFFFF980  }
0xbc: {  	s15 =	sor.u32 s20, s15;
	s2 =	sadd.s32 s2, s19;
	s20 =	sand.u32 $0xFFFFFC00, s10;
	v5 =	vld [tilespmem:s18+$0x0]  }
0xbd: {  	s19 =	sand.u32 $0xFFFFFC00, s12;
	s0 =	sand.u32 $0x380, s24;
	s24 =	sand.u32 $0x380, s22;
	v6 =	vld [tilespmem:s15+$0xA870]  }
0xbe: {  	s22 =	simm.s32 $0x0;
	s4 =	sadd.s32 s4, s20;
	s20 =	sand.u32 $0xFFFFFC00, s13;
	v0 =	vld [tilespmem:s18+$0xFFFFFF90]  }
0xbf: {  	s19 =	sadd.s32 s5, s19;
	s5 =	sand.u32 $0xFFFFF000, s14;
	v2 =	vld [tilespmem:s18+$0xFFFFFFA0];
	s26 =	sor.u32 s0, s2  }
0xc0: {  	v3 =	vld [tilespmem:s18+$0xFFFFFFB0];
	s0 =	sand.u32 $0x380, s25;
	s20 =	sadd.s32 s6, s20;
	s6 =	sand.u32 $0xFFFFFC00, s16  }
0xc1: {  	v4 =	vld [tilespmem:s18+$0xFFFFFFC0];
	s2 =	sand.u32 $0x380, s29;
	s5 =	sadd.s32 $0x6800, s5;
	s7 =	sadd.s32 s7, s6  }
0xc2: {  	v1 =	vld [tilespmem:s18+$0xFFFFFFD0];
	s6 =	sand.u32 $0x380, s21;
	s28 =	sor.u32 s0, s20;
	s20 =	simm.s32 $0xD0  }
0xc3: {  	s0 =	sand.u32 $0x380, s31;
	s21 =	sadd.s32 s6, s5;
	s5 =	sor.u32 s24, s4;
	v7 =	vmul.f32 v6, v5;
	v5 =	vld [tilespmem:s18+$0xFFFFFFE0]  }
0xc4: {  	s6 =	sor.u32 s30, s19;
	s19 =	simm.s32 $0x0;
	s25 =	sor.u32 s2, s7;
	v6 =	vld [tilespmem:s26+$0xA810]  }
0xc5: {  	s24 =	sor.u32 s0, s8;
	s23 =	ssub.s32 s21, s3;
	s21 =	simm.s32 $0x6800;
	[tilespmem:s15+$0xE870] =	vst v7;
	v7 =	vld [tilespmem:s5+$0xA820]  }
.LBB2_10:
0xc6: {  	s0 =	sadd.s32 $0xD9, s22  }
0xc7: {  	v8 =	vld [tilespmem:s6+$0xA830];
	s21 =	sadd.s32 $0x400, s21;
	s8 =	smov.u32 s22;
	s2 =	sadd.s32 $0xDA, s22  }
0xc8: {  	s3 =	sadd.s32 $0xDB, s22;
	s4 =	sadd.s32 $0xDC, s22;
	s9 =	sadd.s32 $0xDD, s22;
	v9 =	vld [tilespmem:s28+$0xA840]  }
0xc9: {  	s15 =	sadd.s32 $0xDE, s22;
	s20 =	sadd.s32 $0x8, s20;
	s7 =	sshll.u32 s0, $0x2;
	v10 =	vld [tilespmem:s25+$0xA850]  }
0xca: {  	s29 =	sshll.u32 s2, $0x2;
	s30 =	sshll.u32 s3, $0x2;
	s31 =	sshll.u32 s4, $0x2;
	v2 =	vmul.f32 v6, v2;
	v6 =	vld [tilespmem:s24+$0xA860]  }
0xcb: {  	s0 =	sshll.u32 s0, $0x4;
	s12 =	sshll.u32 s9, $0x2;
	s13 =	sshll.u32 s15, $0x2;
	v11 =	vld [tilespmem:s23+$0xA800];
	v3 =	vmul.f32 v7, v3  }
0xcc: {  	s2 =	sshll.u32 s2, $0x4;
	s14 =	sshll.u32 s3, $0x4;
	s16 =	sshll.u32 s4, $0x4;
	[tilespmem:s26+$0xE810] =	vst v2;
	v2 =	vmul.f32 v8, v4;
	v4 =	vld [tilespmem:s18+$0xFFFFFFF0]  }
0xcd: {  	s10 =	sshll.u32 s9, $0x4;
	s1 =	sshll.u32 s15, $0x4;
	s26 =	sand.u32 $0x380, s7;
	[tilespmem:s5+$0xE820] =	vst v3;
	v1 =	vmul.f32 v9, v1  }
0xce: {  	s15 =	sand.u32 $0x380, s30;
	s3 =	sand.u32 $0x380, s31;
	s5 =	sand.u32 $0x380, s29;
	[tilespmem:s6+$0xE830] =	vst v2;
	v2 =	vmul.f32 v10, v5  }
0xcf: {  	s4 =	sand.u32 $0x380, s13;
	s7 =	sand.u32 $0x380, s12;
	s6 =	sand.u32 $0x1000, s0;
	[tilespmem:s28+$0xE840] =	vst v1  }
0xd0: {  	s9 =	sand.u32 $0x1000, s14;
	s29 =	sand.u32 $0x1000, s2;
	s28 =	sand.u32 $0x1000, s16;
	v0 =	vmul.f32 v11, v0;
	[tilespmem:s25+$0xE850] =	vst v2  }
0xd1: {  	s22 =	sadd.s32 $0x8, s22;
	s30 =	sand.u32 $0x1000, s1;
	s25 =	sand.u32 $0x1000, s10;
	v1 =	vmul.f32 v6, v4  }
0xd2: {  	s19 =	sadd.s32 $0x400, s19;
	s1 =	sshll.u32 s20, $0x4;
	s0 =	sshll.u32 s20, $0x7;
	[tilespmem:s23+$0xE800] =	vst v0  }
0xd3: {  	p0 =	slt.u32 s22, $0x60;
	s18 =	sadd.s32 $0x80, s18;
	s23 =	sand.u32 $0xFFFFF000, s0;
	[tilespmem:s24+$0xE860] =	vst v1  }
0xd4: {  	s2 =	sadd.s32 $0xDF, s8;
	s0 =	sand.u32 $0xFFFFF000, s1;
	s1 =	ssub.s32 s19, s23  }
0xd5: {  	s10 =	sshll.u32 s2, $0x4;
	s8 =	sadd.s32 $0x6880, s1;
	s12 =	sadd.s32 $0x6B80, s1  }
0xd6: {  	s2 =	sshll.u32 s2, $0x2;
	s10 =	sand.u32 $0x1000, s10;
	s12 =	sand.u32 $0xFFFFFC00, s12  }
0xd7: {  	s16 =	sshll.u32 s20, $0x2;
	s2 =	sand.u32 $0x380, s2;
	s10 =	sadd.s32 s10, s12  }
0xd8: {  	s13 =	sadd.s32 $0x6980, s1;
	s12 =	sadd.s32 $0x6900, s1;
	s2 =	sor.u32 s2, s10;
	v5 =	vld [tilespmem:s18+$0x0]  }
0xd9: {  	s14 =	sadd.s32 $0x6A80, s1;
	s10 =	sadd.s32 $0x6A00, s1;
	s1 =	sadd.s32 $0x6B00, s1;
	v6 =	vld [tilespmem:s2+$0xA870]  }
0xda: {  	s16 =	sand.u32 $0x380, s16;
	s8 =	sand.u32 $0xFFFFFC00, s8;
	s12 =	sand.u32 $0xFFFFFC00, s12;
	v0 =	vld [tilespmem:s18+$0xFFFFFF90]  }
0xdb: {  	s13 =	sand.u32 $0xFFFFFC00, s13;
	s14 =	sand.u32 $0xFFFFFC00, s14;
	s10 =	sand.u32 $0xFFFFFC00, s10;
	v2 =	vld [tilespmem:s18+$0xFFFFFFA0]  }
0xdc: {  	s0 =	sadd.s32 s0, s21;
	s6 =	sadd.s32 s6, s8;
	s1 =	sand.u32 $0xFFFFFC00, s1;
	v3 =	vld [tilespmem:s18+$0xFFFFFFB0]  }
.Ltmp4:
0xdd: {  	s9 =	sadd.s32 s9, s13;
	s8 =	sadd.s32 s29, s12;
	v4 =	vld [tilespmem:s18+$0xFFFFFFC0];
	(pc) =	sbr.rel @p0 .LBB2_10-.Ltmp4, $4  }
0xde: {  	s12 =	sadd.s32 s25, s14;
	s10 =	sadd.s32 s28, s10;
	s1 =	sadd.s32 s30, s1;
	v1 =	vld [tilespmem:s18+$0xFFFFFFD0];
	v7 =	vmul.f32 v6, v5  }
0xdf: {  	s0 =	sadd.s32 s16, s0;
	s26 =	sor.u32 s26, s6;
	s5 =	sor.u32 s5, s8;
	v5 =	vld [tilespmem:s18+$0xFFFFFFE0]  }
0xe0: {  	s6 =	sor.u32 s15, s9;
	s25 =	sor.u32 s7, s12;
	s28 =	sor.u32 s3, s10;
	v6 =	vld [tilespmem:s26+$0xA810];
	[tilespmem:s2+$0xE870] =	vst v7  }
0xe1: {  	s23 =	ssub.s32 s0, s23;
	s24 =	sor.u32 s4, s1;
	v7 =	vld [tilespmem:s5+$0xA820]  }
0xe2: {  	v8 =	vld [tilespmem:s6+$0xA830]  }
0xe3: {  	v9 =	vld [tilespmem:s28+$0xA840]  }
0xe4: {  	v10 =	vld [tilespmem:s25+$0xA850]  }
0xe5: {  	v11 =	vld [tilespmem:s24+$0xA860]  }
0xe6: {  	v2 =	vmul.f32 v6, v2;
	v6 =	vld [tilespmem:s23+$0xA800]  }
0xe7: {  	v3 =	vmul.f32 v7, v3;
	v7 =	vld [tilespmem:s18+$0xFFFFFFF0]  }
0xe8: {  	[tilespmem:s26+$0xE810] =	vst v2;
	v2 =	vmul.f32 v8, v4  }
0xe9: {  	v1 =	vmul.f32 v9, v1;
	[tilespmem:s5+$0xE820] =	vst v3  }
0xea: {  	[tilespmem:s6+$0xE830] =	vst v2;
	v2 =	vmul.f32 v10, v5  }
0xeb: {  	[tilespmem:s28+$0xE840] =	vst v1;
	v0 =	vmul.f32 v6, v0  }
0xec: {  	[tilespmem:s25+$0xE850] =	vst v2;
	v1 =	vmul.f32 v11, v7  }
0xed: {  	s1 =	simm.s32 $0x4;
	s0 =	simm.s32 $0x9C00;
	s19 =	simm.s32 $0x87F0;
	[tilespmem:s23+$0xE800] =	vst v0  }
0xee: {  	s2 =	simm.s32 $0x4E0;
	s4 =	simm.s32 $0x4FC;
	s0 =	sand.u32 $0xFFFFF000, s0;
	[tilespmem:s24+$0xE860] =	vst v1  }
0xef: {  	s20 =	simm.s32 $0x0;
	s21 =	ssub.s32 $0x0, s0;
	_ =	swait.ge [sflag:s1], $0x680  }
0xf0: {  	s9 =	simm.s32 $0x4E4;
	s3 =	sadd.s32 $0x9F80, s21;
	[sflag:s1] =	ssyncset.done $0x0  }
0xf1: {  	s4 =	sand.u32 $0x380, s4;
	s3 =	sand.u32 $0xFFFFFC00, s3;
	[sflag:s1] =	ssyncadd.s32 $0xFFFFF980  }
0xf2: {  	s10 =	simm.s32 $0x4E8;
	s12 =	simm.s32 $0x4EC;
	s3 =	sor.u32 s4, s3;
	v7 =	vld [tilespmem:s19+$0x0]  }
0xf3: {  	s13 =	simm.s32 $0x4F0;
	s14 =	simm.s32 $0x4F4;
	s15 =	simm.s32 $0x4F8;
	v8 =	vld [tilespmem:s3+$0xB870]  }
0xf4: {  	s2 =	sand.u32 $0x380, s2;
	s29 =	sand.u32 $0x380, s13;
	s30 =	sand.u32 $0x380, s14;
	v0 =	vld [tilespmem:s19+$0xFFFFFF90]  }
0xf5: {  	s31 =	sand.u32 $0x380, s15;
	s2 =	sadd.s32 $0xAC00, s2;
	s22 =	sadd.s32 $0x9C80, s21;
	v1 =	vld [tilespmem:s19+$0xFFFFFFA0]  }
0xf6: {  	s7 =	sadd.s32 $0x9E00, s21;
	s8 =	sadd.s32 $0x9E80, s21;
	s18 =	simm.s32 $0x0;
	v2 =	vld [tilespmem:s19+$0xFFFFFFB0]  }
0xf7: {  	s16 =	sand.u32 $0xFFFFFC00, s7;
	s8 =	sand.u32 $0xFFFFFC00, s8;
	s26 =	sand.u32 $0x380, s10;
	v3 =	vld [tilespmem:s19+$0xFFFFFFC0]  }
0xf8: {  	s5 =	sand.u32 $0xFFFFFC00, s22;
	s22 =	simm.s32 $0xB000;
	s23 =	sadd.s32 $0x9D00, s21;
	v4 =	vld [tilespmem:s19+$0xFFFFFFD0]  }
0xf9: {  	s28 =	sand.u32 $0x380, s12;
	s25 =	sand.u32 $0x380, s9;
	s4 =	sand.u32 $0xFFFFFC00, s23;
	v5 =	vld [tilespmem:s19+$0xFFFFFFE0]  }
0xfa: {  	s7 =	sor.u32 s25, s5;
	s24 =	sadd.s32 $0x9D80, s21;
	s5 =	sor.u32 s26, s4;
	v6 =	vld [tilespmem:s19+$0xFFFFFFF0]  }
0xfb: {  	s23 =	ssub.s32 s2, s0;
	s6 =	sand.u32 $0xFFFFFC00, s24;
	s1 =	sadd.s32 $0x9F00, s21;
	v9 =	vld [tilespmem:s5+$0xB820];
	v8 =	vmul.f32 v8, v7  }
0xfc: {  	s4 =	sor.u32 s29, s16;
	s6 =	sor.u32 s28, s6;
	s1 =	sand.u32 $0xFFFFFC00, s1;
	v7 =	vld [tilespmem:s7+$0xB810]  }
0xfd: {  	s24 =	sor.u32 s30, s8;
	s21 =	simm.s32 $0x140;
	s25 =	sor.u32 s31, s1;
	[tilespmem:s3+$0xF870] =	vst v8;
	v8 =	vld [tilespmem:s6+$0xB830]  }
.LBB2_12:
0xfe: {  	s0 =	sshll.u32 s21, $0x7;
	s1 =	sshll.u32 s21, $0x2  }
0xff: {  	v10 =	vld [tilespmem:s4+$0xB840];
	s2 =	smov.u32 s20;
	s20 =	sadd.s32 $0x8, s20;
	s18 =	sadd.s32 $0x400, s18  }
0x100: {  	s19 =	sadd.s32 $0x80, s19;
	s3 =	sand.u32 $0xFFFFF000, s0;
	p0 =	slt.u32 s20, $0x60;
	v11 =	vld [tilespmem:s24+$0xB850]  }
0x101: {  	s0 =	sand.u32 $0x380, s1;
	s2 =	sshll.u32 s2, $0x2;
	s1 =	ssub.s32 s18, s3;
	v1 =	vmul.f32 v7, v1;
	v7 =	vld [tilespmem:s25+$0xB860]  }
0x102: {  	s10 =	sadd.s32 $0x51C, s2;
	s8 =	sadd.s32 $0x9C80, s1;
	s9 =	sadd.s32 $0x9F80, s1;
	v12 =	vld [tilespmem:s23+$0xA800];
	v2 =	vmul.f32 v9, v2  }
0x103: {  	s13 =	sadd.s32 $0x508, s2;
	s10 =	sand.u32 $0x380, s10;
	s9 =	sand.u32 $0xFFFFFC00, s9;
	[tilespmem:s7+$0xF810] =	vst v1;
	v1 =	vmul.f32 v8, v3  }
0x104: {  	s12 =	sadd.s32 $0x9D80, s1;
	s7 =	sadd.s32 $0x9D00, s1;
	v8 =	vld [tilespmem:s19+$0x0];
	s9 =	sor.u32 s10, s9;
	[tilespmem:s5+$0xF820] =	vst v2;
	v2 =	vmul.f32 v10, v4  }
0x105: {  	s5 =	sadd.s32 $0x9E00, s1;
	s10 =	sadd.s32 $0x9E80, s1;
	s1 =	sadd.s32 $0x9F00, s1;
	v9 =	vld [tilespmem:s9+$0xB870];
	[tilespmem:s6+$0xF830] =	vst v1;
	v3 =	vmul.f32 v11, v5  }
0x106: {  	s14 =	sadd.s32 $0x50C, s2;
	s15 =	sadd.s32 $0x514, s2;
	s6 =	sadd.s32 $0x504, s2;
	v10 =	vld [tilespmem:s19+$0xFFFFFF90];
	[tilespmem:s4+$0xF840] =	vst v2;
	v4 =	vmul.f32 v7, v6  }
0x107: {  	s0 =	sadd.s32 s0, s22;
	s4 =	sadd.s32 $0x510, s2;
	s2 =	sadd.s32 $0x518, s2;
	v1 =	vld [tilespmem:s19+$0xFFFFFFA0];
	v0 =	vmul.f32 v12, v0;
	[tilespmem:s24+$0xF850] =	vst v3  }
0x108: {  	s8 =	sand.u32 $0xFFFFFC00, s8;
	s12 =	sand.u32 $0xFFFFFC00, s12;
	s16 =	sand.u32 $0xFFFFFC00, s7;
	v2 =	vld [tilespmem:s19+$0xFFFFFFB0];
	[tilespmem:s25+$0xF860] =	vst v4  }
0x109: {  	s10 =	sand.u32 $0xFFFFFC00, s10;
	s1 =	sand.u32 $0xFFFFFC00, s1;
	s24 =	sand.u32 $0xFFFFFC00, s5;
	v3 =	vld [tilespmem:s19+$0xFFFFFFC0];
	[tilespmem:s23+$0xE800] =	vst v0  }
0x10a: {  	s5 =	sand.u32 $0x380, s6;
	s6 =	sand.u32 $0x380, s13;
	s13 =	sand.u32 $0x380, s14;
	v4 =	vld [tilespmem:s19+$0xFFFFFFD0];
	v7 =	vmul.f32 v9, v8  }
.Ltmp5:
0x10b: {  	s4 =	sand.u32 $0x380, s4;
	s14 =	sand.u32 $0x380, s15;
	v5 =	vld [tilespmem:s19+$0xFFFFFFE0];
	(pc) =	sbr.rel @p0 .LBB2_12-.Ltmp5, $4  }
0x10c: {  	s2 =	sand.u32 $0x380, s2;
	s7 =	sor.u32 s5, s8;
	s5 =	sor.u32 s6, s16;
	v0 =	vmov v10;
	v6 =	vld [tilespmem:s19+$0xFFFFFFF0];
	[tilespmem:s9+$0xF870] =	vst v7  }
0x10d: {  	s6 =	sor.u32 s13, s12;
	s4 =	sor.u32 s4, s24;
	s24 =	sor.u32 s14, s10;
	v7 =	vld [tilespmem:s7+$0xB810]  }
0x10e: {  	s25 =	sor.u32 s2, s1;
	s23 =	ssub.s32 s0, s3;
	v9 =	vld [tilespmem:s5+$0xB820]  }
0x10f: {  	s21 =	sadd.s32 $0x8, s21;
	s22 =	sadd.s32 $0x400, s22;
	v8 =	vld [tilespmem:s6+$0xB830]  }
0x110: {  	s0 =	simm.s32 $0x5;
	s18 =	simm.s32 $0x8E70;
	s1 =	simm.s32 $0x1A10  }
0x111: {  	v10 =	vld [tilespmem:s4+$0xB840];
	s2 =	simm.s32 $0x1A20;
	s26 =	simm.s32 $0x1A40;
	s29 =	simm.s32 $0x1A50  }
0x112: {  	v12 =	vld [tilespmem:s23+$0xA800];
	s3 =	simm.s32 $0xD000;
	s30 =	simm.s32 $0x1A60;
	s9 =	simm.s32 $0x1A70  }
0x113: {  	v11 =	vld [tilespmem:s24+$0xB850];
	s12 =	simm.s32 $0x69C;
	s16 =	simm.s32 $0x1A00;
	s20 =	simm.s32 $0x680;
	v1 =	vmul.f32 v7, v1  }
0x114: {  	s22 =	simm.s32 $0x688;
	s1 =	sand.u32 $0x3000, s1;
	s3 =	sand.u32 $0xFFFFF000, s3;
	v7 =	vld [tilespmem:s25+$0xB860];
	v2 =	vmul.f32 v9, v2  }
0x115: {  	s2 =	sand.u32 $0x3000, s2;
	s9 =	sand.u32 $0x3000, s9;
	s8 =	ssub.s32 $0x0, s3;
	[tilespmem:s7+$0xF810] =	vst v1;
	v1 =	vmul.f32 v8, v3  }
0x116: {  	s12 =	sand.u32 $0x380, s12;
	s10 =	sadd.s32 $0xD380, s8;
	s31 =	sadd.s32 $0xD080, s8;
	[tilespmem:s5+$0xF820] =	vst v2;
	v2 =	vmul.f32 v10, v4  }
0x117: {  	s13 =	sadd.s32 $0xD100, s8;
	s14 =	sadd.s32 $0xD180, s8;
	s15 =	sadd.s32 $0xD200, s8;
	v0 =	vmul.f32 v12, v0;
	[tilespmem:s6+$0xF830] =	vst v1  }
0x118: {  	s19 =	sadd.s32 $0xD280, s8;
	s8 =	sadd.s32 $0xD300, s8;
	s10 =	sand.u32 $0xFFFFFC00, s10;
	v1 =	vmul.f32 v11, v5;
	[tilespmem:s4+$0xF840] =	vst v2  }
0x119: {  	s7 =	sand.u32 $0x3000, s30;
	s8 =	sand.u32 $0xFFFFFC00, s8;
	s5 =	sand.u32 $0x3000, s26;
	v2 =	vmul.f32 v7, v6;
	[tilespmem:s23+$0xE800] =	vst v0  }
0x11a: {  	s9 =	sadd.s32 s9, s10;
	s10 =	sand.u32 $0xFFFFFC00, s31;
	s7 =	sadd.s32 s7, s8;
	[tilespmem:s24+$0xF850] =	vst v1  }
0x11b: {  	s31 =	simm.s32 $0x698;
	s9 =	sor.u32 s12, s9;
	s1 =	sadd.s32 s1, s10;
	[tilespmem:s25+$0xF860] =	vst v2  }
0x11c: {  	s12 =	sand.u32 $0xFFFFFC00, s13;
	s10 =	sand.u32 $0xFFFFFC00, s14;
	_ =	swait.ge [sflag:s0], $0x680  }
0x11d: {  	s6 =	sand.u32 $0x3000, s29;
	s29 =	simm.s32 $0x694;
	[sflag:s0] =	ssyncset.done $0x0  }
0x11e: {  	s2 =	sadd.s32 s2, s12;
	s12 =	sand.u32 $0xFFFFFC00, s15;
	[sflag:s0] =	ssyncadd.s32 $0xFFFFF980  }
0x11f: {  	s23 =	simm.s32 $0x68C;
	s24 =	simm.s32 $0x684;
	s12 =	sadd.s32 s5, s12;
	v5 =	vld [tilespmem:s18+$0x0]  }
0x120: {  	s5 =	sand.u32 $0xFFFFFC00, s19;
	s30 =	sand.u32 $0x380, s23;
	s25 =	simm.s32 $0x1A30;
	v6 =	vld [tilespmem:s9+$0xA870]  }
0x121: {  	s19 =	simm.s32 $0x0;
	s13 =	sadd.s32 s6, s5;
	s4 =	sand.u32 $0x3000, s25;
	v0 =	vld [tilespmem:s18+$0xFFFFFF90]  }
0x122: {  	s5 =	sand.u32 $0x380, s20;
	s4 =	sadd.s32 s4, s10;
	s10 =	sand.u32 $0xFFFFF000, s16;
	v2 =	vld [tilespmem:s18+$0xFFFFFFA0]  }
0x123: {  	s20 =	simm.s32 $0x1A0;
	s25 =	simm.s32 $0x690;
	s21 =	sadd.s32 $0xD000, s10;
	v3 =	vld [tilespmem:s18+$0xFFFFFFB0]  }
0x124: {  	s0 =	sand.u32 $0x380, s24;
	s24 =	sand.u32 $0x380, s22;
	s6 =	sor.u32 s30, s4;
	v4 =	vld [tilespmem:s18+$0xFFFFFFC0]  }
0x125: {  	s22 =	simm.s32 $0x0;
	s10 =	sadd.s32 s5, s21;
	s26 =	sor.u32 s0, s1;
	v1 =	vld [tilespmem:s18+$0xFFFFFFD0]  }
0x126: {  	s5 =	sor.u32 s24, s2;
	s0 =	sand.u32 $0x380, s25;
	s1 =	sand.u32 $0x380, s29;
	v7 =	vmul.f32 v6, v5;
	v5 =	vld [tilespmem:s18+$0xFFFFFFE0]  }
0x127: {  	s21 =	simm.s32 $0xD000;
	s28 =	sor.u32 s0, s12;
	s0 =	sand.u32 $0x380, s31;
	v6 =	vld [tilespmem:s26+$0xA810]  }
0x128: {  	s25 =	sor.u32 s1, s13;
	s23 =	ssub.s32 s10, s3;
	s24 =	sor.u32 s0, s7;
	[tilespmem:s9+$0xE870] =	vst v7;
	v7 =	vld [tilespmem:s5+$0xA820]  }
.LBB2_14:
0x129: {  	s0 =	sadd.s32 $0x1A9, s22  }
0x12a: {  	v8 =	vld [tilespmem:s6+$0xA830];
	s21 =	sadd.s32 $0x400, s21;
	s8 =	smov.u32 s22;
	s1 =	sadd.s32 $0x1AA, s22  }
0x12b: {  	s2 =	sadd.s32 $0x1AB, s22;
	s3 =	sadd.s32 $0x1AC, s22;
	s7 =	sadd.s32 $0x1AD, s22;
	v9 =	vld [tilespmem:s28+$0xA840]  }
0x12c: {  	s9 =	sadd.s32 $0x1AE, s22;
	s20 =	sadd.s32 $0x8, s20;
	s4 =	sshll.u32 s0, $0x2;
	v10 =	vld [tilespmem:s25+$0xA850]  }
0x12d: {  	s10 =	sshll.u32 s1, $0x2;
	s12 =	sshll.u32 s2, $0x2;
	s13 =	sshll.u32 s3, $0x2;
	v2 =	vmul.f32 v6, v2;
	v6 =	vld [tilespmem:s24+$0xA860]  }
0x12e: {  	s0 =	sshll.u32 s0, $0x4;
	s14 =	sshll.u32 s7, $0x2;
	s15 =	sshll.u32 s9, $0x2;
	v11 =	vld [tilespmem:s23+$0xA800];
	v3 =	vmul.f32 v7, v3  }
0x12f: {  	s1 =	sshll.u32 s1, $0x4;
	s2 =	sshll.u32 s2, $0x4;
	s16 =	sshll.u32 s3, $0x4;
	[tilespmem:s26+$0xE810] =	vst v2;
	v2 =	vmul.f32 v8, v4;
	v4 =	vld [tilespmem:s18+$0xFFFFFFF0]  }
0x130: {  	s30 =	sshll.u32 s7, $0x4;
	s31 =	sshll.u32 s9, $0x4;
	s26 =	sand.u32 $0x380, s4;
	[tilespmem:s5+$0xE820] =	vst v3;
	v1 =	vmul.f32 v9, v1  }
0x131: {  	s3 =	sand.u32 $0x380, s12;
	s4 =	sand.u32 $0x380, s13;
	s5 =	sand.u32 $0x380, s10;
	[tilespmem:s6+$0xE830] =	vst v2;
	v2 =	vmul.f32 v10, v5  }
0x132: {  	s7 =	sand.u32 $0x380, s14;
	s15 =	sand.u32 $0x380, s15;
	s6 =	sand.u32 $0x3000, s0;
	[tilespmem:s28+$0xE840] =	vst v1  }
0x133: {  	s29 =	sand.u32 $0x3000, s1;
	s9 =	sand.u32 $0x3000, s2;
	s28 =	sand.u32 $0x3000, s16;
	v0 =	vmul.f32 v11, v0;
	[tilespmem:s25+$0xE850] =	vst v2  }
0x134: {  	s22 =	sadd.s32 $0x8, s22;
	s25 =	sand.u32 $0x3000, s30;
	s30 =	sand.u32 $0x3000, s31;
	v1 =	vmul.f32 v6, v4  }
0x135: {  	s19 =	sadd.s32 $0x400, s19;
	s1 =	sshll.u32 s20, $0x4;
	s0 =	sshll.u32 s20, $0x7;
	[tilespmem:s23+$0xE800] =	vst v0  }
0x136: {  	p0 =	slt.u32 s22, $0x60;
	s2 =	sadd.s32 $0x1AF, s8;
	s23 =	sand.u32 $0xFFFFF000, s0;
	[tilespmem:s24+$0xE860] =	vst v1  }
0x137: {  	s18 =	sadd.s32 $0x80, s18;
	s0 =	sand.u32 $0xFFFFF000, s1;
	s1 =	ssub.s32 s19, s23  }
0x138: {  	s10 =	sshll.u32 s2, $0x4;
	s8 =	sadd.s32 $0xD080, s1;
	s12 =	sadd.s32 $0xD380, s1  }
0x139: {  	s2 =	sshll.u32 s2, $0x2;
	s10 =	sand.u32 $0x3000, s10;
	s12 =	sand.u32 $0xFFFFFC00, s12  }
0x13a: {  	s2 =	sand.u32 $0x380, s2;
	s16 =	sshll.u32 s20, $0x2;
	s10 =	sadd.s32 s10, s12  }
0x13b: {  	s13 =	sadd.s32 $0xD180, s1;
	s12 =	sadd.s32 $0xD100, s1;
	s2 =	sor.u32 s2, s10;
	v5 =	vld [tilespmem:s18+$0x0]  }
0x13c: {  	s14 =	sadd.s32 $0xD280, s1;
	s10 =	sadd.s32 $0xD200, s1;
	s1 =	sadd.s32 $0xD300, s1;
	v6 =	vld [tilespmem:s2+$0xA870]  }
0x13d: {  	s16 =	sand.u32 $0x380, s16;
	s8 =	sand.u32 $0xFFFFFC00, s8;
	s12 =	sand.u32 $0xFFFFFC00, s12;
	v0 =	vld [tilespmem:s18+$0xFFFFFF90]  }
0x13e: {  	s13 =	sand.u32 $0xFFFFFC00, s13;
	s14 =	sand.u32 $0xFFFFFC00, s14;
	s10 =	sand.u32 $0xFFFFFC00, s10;
	v2 =	vld [tilespmem:s18+$0xFFFFFFA0]  }
0x13f: {  	s0 =	sadd.s32 s0, s21;
	s6 =	sadd.s32 s6, s8;
	s1 =	sand.u32 $0xFFFFFC00, s1;
	v3 =	vld [tilespmem:s18+$0xFFFFFFB0]  }
.Ltmp6:
0x140: {  	s9 =	sadd.s32 s9, s13;
	s8 =	sadd.s32 s29, s12;
	v4 =	vld [tilespmem:s18+$0xFFFFFFC0];
	(pc) =	sbr.rel @p0 .LBB2_14-.Ltmp6, $4  }
0x141: {  	s12 =	sadd.s32 s25, s14;
	s10 =	sadd.s32 s28, s10;
	s1 =	sadd.s32 s30, s1;
	v1 =	vld [tilespmem:s18+$0xFFFFFFD0];
	v7 =	vmul.f32 v6, v5  }
0x142: {  	s0 =	sadd.s32 s16, s0;
	s26 =	sor.u32 s26, s6;
	s5 =	sor.u32 s5, s8;
	v5 =	vld [tilespmem:s18+$0xFFFFFFE0]  }
0x143: {  	s6 =	sor.u32 s3, s9;
	s25 =	sor.u32 s7, s12;
	s28 =	sor.u32 s4, s10;
	v6 =	vld [tilespmem:s26+$0xA810];
	[tilespmem:s2+$0xE870] =	vst v7  }
0x144: {  	s23 =	ssub.s32 s0, s23;
	s24 =	sor.u32 s15, s1;
	v7 =	vld [tilespmem:s5+$0xA820]  }
0x145: {  	v8 =	vld [tilespmem:s6+$0xA830]  }
0x146: {  	v9 =	vld [tilespmem:s28+$0xA840]  }
0x147: {  	v10 =	vld [tilespmem:s25+$0xA850]  }
0x148: {  	v11 =	vld [tilespmem:s24+$0xA860]  }
0x149: {  	v2 =	vmul.f32 v6, v2;
	v6 =	vld [tilespmem:s23+$0xA800]  }
0x14a: {  	v3 =	vmul.f32 v7, v3;
	v7 =	vld [tilespmem:s18+$0xFFFFFFF0]  }
0x14b: {  	[tilespmem:s26+$0xE810] =	vst v2;
	v2 =	vmul.f32 v8, v4  }
0x14c: {  	v1 =	vmul.f32 v9, v1;
	[tilespmem:s5+$0xE820] =	vst v3  }
0x14d: {  	[tilespmem:s6+$0xE830] =	vst v2;
	v2 =	vmul.f32 v10, v5  }
0x14e: {  	[tilespmem:s28+$0xE840] =	vst v1;
	v0 =	vmul.f32 v6, v0  }
0x14f: {  	[tilespmem:s25+$0xE850] =	vst v2;
	v1 =	vmul.f32 v11, v7  }
0x150: {  	s1 =	simm.s32 $0x6;
	s0 =	simm.s32 $0x10400;
	s19 =	simm.s32 $0x94F0;
	[tilespmem:s23+$0xE800] =	vst v0  }
0x151: {  	s2 =	simm.s32 $0x820;
	s4 =	simm.s32 $0x83C;
	s0 =	sand.u32 $0xFFFFF000, s0;
	[tilespmem:s24+$0xE860] =	vst v1  }
0x152: {  	s20 =	simm.s32 $0x0;
	s21 =	ssub.s32 $0x0, s0;
	_ =	swait.ge [sflag:s1], $0x680  }
0x153: {  	s9 =	simm.s32 $0x824;
	s3 =	sadd.s32 $0x10780, s21;
	[sflag:s1] =	ssyncset.done $0x0  }
0x154: {  	s4 =	sand.u32 $0x380, s4;
	s3 =	sand.u32 $0xFFFFFC00, s3;
	[sflag:s1] =	ssyncadd.s32 $0xFFFFF980  }
0x155: {  	s10 =	simm.s32 $0x828;
	s12 =	simm.s32 $0x82C;
	s3 =	sor.u32 s4, s3;
	v7 =	vld [tilespmem:s19+$0x0]  }
0x156: {  	s13 =	simm.s32 $0x830;
	s14 =	simm.s32 $0x834;
	s15 =	simm.s32 $0x838;
	v8 =	vld [tilespmem:s3+$0xC870]  }
0x157: {  	s2 =	sand.u32 $0x380, s2;
	s29 =	sand.u32 $0x380, s13;
	s30 =	sand.u32 $0x380, s14;
	v0 =	vld [tilespmem:s19+$0xFFFFFF90]  }
0x158: {  	s31 =	sand.u32 $0x380, s15;
	s2 =	sadd.s32 $0x12400, s2;
	s22 =	sadd.s32 $0x10480, s21;
	v1 =	vld [tilespmem:s19+$0xFFFFFFA0]  }
0x159: {  	s7 =	sadd.s32 $0x10600, s21;
	s8 =	sadd.s32 $0x10680, s21;
	s18 =	simm.s32 $0x0;
	v2 =	vld [tilespmem:s19+$0xFFFFFFB0]  }
0x15a: {  	s16 =	sand.u32 $0xFFFFFC00, s7;
	s8 =	sand.u32 $0xFFFFFC00, s8;
	s26 =	sand.u32 $0x380, s10;
	v3 =	vld [tilespmem:s19+$0xFFFFFFC0]  }
0x15b: {  	s5 =	sand.u32 $0xFFFFFC00, s22;
	s22 =	simm.s32 $0x12800;
	s23 =	sadd.s32 $0x10500, s21;
	v4 =	vld [tilespmem:s19+$0xFFFFFFD0]  }
0x15c: {  	s28 =	sand.u32 $0x380, s12;
	s25 =	sand.u32 $0x380, s9;
	s4 =	sand.u32 $0xFFFFFC00, s23;
	v5 =	vld [tilespmem:s19+$0xFFFFFFE0]  }
0x15d: {  	s7 =	sor.u32 s25, s5;
	s24 =	sadd.s32 $0x10580, s21;
	s5 =	sor.u32 s26, s4;
	v6 =	vld [tilespmem:s19+$0xFFFFFFF0]  }
0x15e: {  	s23 =	ssub.s32 s2, s0;
	s6 =	sand.u32 $0xFFFFFC00, s24;
	s1 =	sadd.s32 $0x10700, s21;
	v9 =	vld [tilespmem:s5+$0xC820];
	v8 =	vmul.f32 v8, v7  }
0x15f: {  	s4 =	sor.u32 s29, s16;
	s6 =	sor.u32 s28, s6;
	s1 =	sand.u32 $0xFFFFFC00, s1;
	v7 =	vld [tilespmem:s7+$0xC810]  }
0x160: {  	s24 =	sor.u32 s30, s8;
	s21 =	simm.s32 $0x210;
	s25 =	sor.u32 s31, s1;
	[tilespmem:s3+$0x10870] =	vst v8;
	v8 =	vld [tilespmem:s6+$0xC830]  }
.LBB2_16:
0x161: {  	s0 =	sshll.u32 s21, $0x7;
	s1 =	sshll.u32 s21, $0x2  }
0x162: {  	v10 =	vld [tilespmem:s4+$0xC840];
	s2 =	smov.u32 s20;
	s20 =	sadd.s32 $0x8, s20;
	s18 =	sadd.s32 $0x400, s18  }
0x163: {  	s19 =	sadd.s32 $0x80, s19;
	s3 =	sand.u32 $0xFFFFF000, s0;
	p0 =	slt.u32 s20, $0x60;
	v11 =	vld [tilespmem:s24+$0xC850]  }
0x164: {  	s0 =	sand.u32 $0x380, s1;
	s2 =	sshll.u32 s2, $0x2;
	s1 =	ssub.s32 s18, s3;
	v1 =	vmul.f32 v7, v1;
	v7 =	vld [tilespmem:s25+$0xC860]  }
0x165: {  	s10 =	sadd.s32 $0x85C, s2;
	s8 =	sadd.s32 $0x10480, s1;
	s9 =	sadd.s32 $0x10780, s1;
	v12 =	vld [tilespmem:s23+$0xA800];
	v2 =	vmul.f32 v9, v2  }
0x166: {  	s13 =	sadd.s32 $0x848, s2;
	s10 =	sand.u32 $0x380, s10;
	s9 =	sand.u32 $0xFFFFFC00, s9;
	[tilespmem:s7+$0x10810] =	vst v1;
	v1 =	vmul.f32 v8, v3  }
0x167: {  	s12 =	sadd.s32 $0x10580, s1;
	s7 =	sadd.s32 $0x10500, s1;
	v8 =	vld [tilespmem:s19+$0x0];
	s9 =	sor.u32 s10, s9;
	[tilespmem:s5+$0x10820] =	vst v2;
	v2 =	vmul.f32 v10, v4  }
0x168: {  	s5 =	sadd.s32 $0x10600, s1;
	s10 =	sadd.s32 $0x10680, s1;
	s1 =	sadd.s32 $0x10700, s1;
	v9 =	vld [tilespmem:s9+$0xC870];
	[tilespmem:s6+$0x10830] =	vst v1;
	v3 =	vmul.f32 v11, v5  }
0x169: {  	s14 =	sadd.s32 $0x84C, s2;
	s15 =	sadd.s32 $0x854, s2;
	s6 =	sadd.s32 $0x844, s2;
	v10 =	vld [tilespmem:s19+$0xFFFFFF90];
	[tilespmem:s4+$0x10840] =	vst v2;
	v4 =	vmul.f32 v7, v6  }
0x16a: {  	s0 =	sadd.s32 s0, s22;
	s4 =	sadd.s32 $0x850, s2;
	s2 =	sadd.s32 $0x858, s2;
	v1 =	vld [tilespmem:s19+$0xFFFFFFA0];
	v0 =	vmul.f32 v12, v0;
	[tilespmem:s24+$0x10850] =	vst v3  }
0x16b: {  	s8 =	sand.u32 $0xFFFFFC00, s8;
	s12 =	sand.u32 $0xFFFFFC00, s12;
	s16 =	sand.u32 $0xFFFFFC00, s7;
	v2 =	vld [tilespmem:s19+$0xFFFFFFB0];
	[tilespmem:s25+$0x10860] =	vst v4  }
0x16c: {  	s10 =	sand.u32 $0xFFFFFC00, s10;
	s1 =	sand.u32 $0xFFFFFC00, s1;
	s24 =	sand.u32 $0xFFFFFC00, s5;
	v3 =	vld [tilespmem:s19+$0xFFFFFFC0];
	[tilespmem:s23+$0xE800] =	vst v0  }
0x16d: {  	s5 =	sand.u32 $0x380, s6;
	s6 =	sand.u32 $0x380, s13;
	s13 =	sand.u32 $0x380, s14;
	v4 =	vld [tilespmem:s19+$0xFFFFFFD0];
	v7 =	vmul.f32 v9, v8  }
.Ltmp7:
0x16e: {  	s4 =	sand.u32 $0x380, s4;
	s14 =	sand.u32 $0x380, s15;
	v5 =	vld [tilespmem:s19+$0xFFFFFFE0];
	(pc) =	sbr.rel @p0 .LBB2_16-.Ltmp7, $4  }
0x16f: {  	s2 =	sand.u32 $0x380, s2;
	s7 =	sor.u32 s5, s8;
	s5 =	sor.u32 s6, s16;
	v0 =	vmov v10;
	v6 =	vld [tilespmem:s19+$0xFFFFFFF0];
	[tilespmem:s9+$0x10870] =	vst v7  }
0x170: {  	s6 =	sor.u32 s13, s12;
	s4 =	sor.u32 s4, s24;
	s24 =	sor.u32 s14, s10;
	v7 =	vld [tilespmem:s7+$0xC810]  }
0x171: {  	s25 =	sor.u32 s2, s1;
	s23 =	ssub.s32 s0, s3;
	v9 =	vld [tilespmem:s5+$0xC820]  }
0x172: {  	s21 =	sadd.s32 $0x8, s21;
	s22 =	sadd.s32 $0x400, s22;
	v8 =	vld [tilespmem:s6+$0xC830]  }
0x173: {  	v10 =	vld [tilespmem:s4+$0xC840]  }
0x174: {  	v12 =	vld [tilespmem:s23+$0xA800]  }
0x175: {  	v11 =	vld [tilespmem:s24+$0xC850];
	v1 =	vmul.f32 v7, v1  }
0x176: {  	v7 =	vld [tilespmem:s25+$0xC860];
	v2 =	vmul.f32 v9, v2  }
0x177: {  	[tilespmem:s7+$0x10810] =	vst v1;
	v1 =	vmul.f32 v8, v3  }
0x178: {  	[tilespmem:s5+$0x10820] =	vst v2;
	v2 =	vmul.f32 v10, v4  }
0x179: {  	v0 =	vmul.f32 v12, v0;
	[tilespmem:s6+$0x10830] =	vst v1  }
0x17a: {  	v1 =	vmul.f32 v11, v5;
	[tilespmem:s4+$0x10840] =	vst v2  }
0x17b: {  	v2 =	vmul.f32 v7, v6;
	[tilespmem:s23+$0xE800] =	vst v0  }
0x17c: {  	s1 =	simm.s32 $0x7;
	s0 =	simm.s32 $0x13800;
	s18 =	simm.s32 $0x0;
	[tilespmem:s24+$0x10850] =	vst v1  }
0x17d: {  	s19 =	simm.s32 $0x9B70;
	s2 =	simm.s32 $0x9C0;
	s0 =	sand.u32 $0xFFFFF000, s0;
	[tilespmem:s25+$0x10860] =	vst v2  }
0x17e: {  	s16 =	simm.s32 $0x9DC;
	s15 =	ssub.s32 $0x0, s0;
	_ =	swait.ge [sflag:s1], $0x680  }
0x17f: {  	s20 =	simm.s32 $0x0;
	s3 =	sadd.s32 $0x13B80, s15;
	[sflag:s1] =	ssyncset.done $0x0  }
0x180: {  	s3 =	sand.u32 $0xFFFFFC00, s3;
	s4 =	sand.u32 $0x380, s16;
	[sflag:s1] =	ssyncadd.s32 $0xFFFFF980  }
0x181: {  	s9 =	simm.s32 $0x9C4;
	s10 =	simm.s32 $0x9C8;
	s3 =	sor.u32 s4, s3;
	v7 =	vld [tilespmem:s19+$0x0]  }
0x182: {  	s12 =	simm.s32 $0x9CC;
	s13 =	simm.s32 $0x9D0;
	s14 =	simm.s32 $0x9D4;
	v8 =	vld [tilespmem:s3+$0xC870]  }
0x183: {  	s2 =	sand.u32 $0x380, s2;
	s26 =	sand.u32 $0x380, s10;
	s28 =	sand.u32 $0x380, s12;
	v0 =	vld [tilespmem:s19+$0xFFFFFF90]  }
0x184: {  	s29 =	sand.u32 $0x380, s13;
	s30 =	sand.u32 $0x380, s14;
	s2 =	sadd.s32 $0x15800, s2;
	v1 =	vld [tilespmem:s19+$0xFFFFFFA0]  }
0x185: {  	s21 =	sadd.s32 $0x13880, s15;
	s22 =	sadd.s32 $0x13900, s15;
	s8 =	sadd.s32 $0x13A80, s15;
	v2 =	vld [tilespmem:s19+$0xFFFFFFB0]  }
0x186: {  	s8 =	sand.u32 $0xFFFFFC00, s8;
	s5 =	sand.u32 $0xFFFFFC00, s21;
	s21 =	simm.s32 $0x278;
	v3 =	vld [tilespmem:s19+$0xFFFFFFC0]  }
0x187: {  	s23 =	sadd.s32 $0x13980, s15;
	s24 =	sadd.s32 $0x13A00, s15;
	s4 =	sand.u32 $0xFFFFFC00, s22;
	v4 =	vld [tilespmem:s19+$0xFFFFFFD0]  }
0x188: {  	s6 =	sand.u32 $0xFFFFFC00, s23;
	s23 =	ssub.s32 s2, s0;
	s25 =	sand.u32 $0x380, s9;
	v5 =	vld [tilespmem:s19+$0xFFFFFFE0]  }
0x189: {  	s22 =	simm.s32 $0x15C00;
	s7 =	sor.u32 s25, s5;
	s5 =	sor.u32 s26, s4;
	v6 =	vld [tilespmem:s19+$0xFFFFFFF0]  }
0x18a: {  	s16 =	sand.u32 $0xFFFFFC00, s24;
	s1 =	sadd.s32 $0x13B00, s15;
	s15 =	simm.s32 $0x9D8;
	v9 =	vld [tilespmem:s5+$0xC820];
	v8 =	vmul.f32 v8, v7  }
0x18b: {  	s6 =	sor.u32 s28, s6;
	s1 =	sand.u32 $0xFFFFFC00, s1;
	s31 =	sand.u32 $0x380, s15;
	v7 =	vld [tilespmem:s7+$0xC810]  }
0x18c: {  	s24 =	sor.u32 s30, s8;
	s4 =	sor.u32 s29, s16;
	s25 =	sor.u32 s31, s1;
	[tilespmem:s3+$0x10870] =	vst v8;
	v8 =	vld [tilespmem:s6+$0xC830]  }
.LBB2_18:
0x18d: {  	s0 =	sshll.u32 s21, $0x7;
	s1 =	sshll.u32 s21, $0x2  }
0x18e: {  	v10 =	vld [tilespmem:s4+$0xC840];
	s2 =	smov.u32 s20;
	s20 =	sadd.s32 $0x8, s20;
	s18 =	sadd.s32 $0x400, s18  }
0x18f: {  	s19 =	sadd.s32 $0x80, s19;
	s3 =	sand.u32 $0xFFFFF000, s0;
	p0 =	slt.u32 s20, $0x60;
	v11 =	vld [tilespmem:s24+$0xC850]  }
0x190: {  	s0 =	sand.u32 $0x380, s1;
	s2 =	sshll.u32 s2, $0x2;
	s1 =	ssub.s32 s18, s3;
	v1 =	vmul.f32 v7, v1;
	v7 =	vld [tilespmem:s25+$0xC860]  }
0x191: {  	s10 =	sadd.s32 $0x9FC, s2;
	s8 =	sadd.s32 $0x13880, s1;
	s9 =	sadd.s32 $0x13B80, s1;
	v12 =	vld [tilespmem:s23+$0xA800];
	v2 =	vmul.f32 v9, v2  }
0x192: {  	s13 =	sadd.s32 $0x9E8, s2;
	s10 =	sand.u32 $0x380, s10;
	s9 =	sand.u32 $0xFFFFFC00, s9;
	[tilespmem:s7+$0x10810] =	vst v1;
	v1 =	vmul.f32 v8, v3  }
0x193: {  	s12 =	sadd.s32 $0x13980, s1;
	s7 =	sadd.s32 $0x13900, s1;
	v8 =	vld [tilespmem:s19+$0x0];
	s9 =	sor.u32 s10, s9;
	[tilespmem:s5+$0x10820] =	vst v2;
	v2 =	vmul.f32 v10, v4  }
0x194: {  	s5 =	sadd.s32 $0x13A00, s1;
	s10 =	sadd.s32 $0x13A80, s1;
	s1 =	sadd.s32 $0x13B00, s1;
	v9 =	vld [tilespmem:s9+$0xC870];
	[tilespmem:s6+$0x10830] =	vst v1;
	v3 =	vmul.f32 v11, v5  }
0x195: {  	s14 =	sadd.s32 $0x9EC, s2;
	s15 =	sadd.s32 $0x9F4, s2;
	s6 =	sadd.s32 $0x9E4, s2;
	v10 =	vld [tilespmem:s19+$0xFFFFFF90];
	[tilespmem:s4+$0x10840] =	vst v2;
	v4 =	vmul.f32 v7, v6  }
0x196: {  	s0 =	sadd.s32 s0, s22;
	s4 =	sadd.s32 $0x9F0, s2;
	s2 =	sadd.s32 $0x9F8, s2;
	v1 =	vld [tilespmem:s19+$0xFFFFFFA0];
	v0 =	vmul.f32 v12, v0;
	[tilespmem:s24+$0x10850] =	vst v3  }
0x197: {  	s8 =	sand.u32 $0xFFFFFC00, s8;
	s12 =	sand.u32 $0xFFFFFC00, s12;
	s16 =	sand.u32 $0xFFFFFC00, s7;
	v2 =	vld [tilespmem:s19+$0xFFFFFFB0];
	[tilespmem:s25+$0x10860] =	vst v4  }
0x198: {  	s10 =	sand.u32 $0xFFFFFC00, s10;
	s1 =	sand.u32 $0xFFFFFC00, s1;
	s24 =	sand.u32 $0xFFFFFC00, s5;
	v3 =	vld [tilespmem:s19+$0xFFFFFFC0];
	[tilespmem:s23+$0xE800] =	vst v0  }
0x199: {  	s5 =	sand.u32 $0x380, s6;
	s6 =	sand.u32 $0x380, s13;
	s13 =	sand.u32 $0x380, s14;
	v4 =	vld [tilespmem:s19+$0xFFFFFFD0];
	v7 =	vmul.f32 v9, v8  }
.Ltmp8:
0x19a: {  	s4 =	sand.u32 $0x380, s4;
	s14 =	sand.u32 $0x380, s15;
	v5 =	vld [tilespmem:s19+$0xFFFFFFE0];
	(pc) =	sbr.rel @p0 .LBB2_18-.Ltmp8, $4  }
0x19b: {  	s2 =	sand.u32 $0x380, s2;
	s7 =	sor.u32 s5, s8;
	s5 =	sor.u32 s6, s16;
	v0 =	vmov v10;
	v6 =	vld [tilespmem:s19+$0xFFFFFFF0];
	[tilespmem:s9+$0x10870] =	vst v7  }
0x19c: {  	s6 =	sor.u32 s13, s12;
	s4 =	sor.u32 s4, s24;
	s24 =	sor.u32 s14, s10;
	v7 =	vld [tilespmem:s7+$0xC810]  }
0x19d: {  	s25 =	sor.u32 s2, s1;
	s23 =	ssub.s32 s0, s3;
	v9 =	vld [tilespmem:s5+$0xC820]  }
0x19e: {  	s21 =	sadd.s32 $0x8, s21;
	s22 =	sadd.s32 $0x400, s22;
	v8 =	vld [tilespmem:s6+$0xC830]  }
0x19f: {  	s0 =	simm.s32 $0x8;
	s18 =	simm.s32 $0xA1F0;
	s1 =	simm.s32 $0x2D90  }
0x1a0: {  	v10 =	vld [tilespmem:s4+$0xC840];
	s2 =	simm.s32 $0x2DA0;
	s26 =	simm.s32 $0x2DC0;
	s29 =	simm.s32 $0x2DD0  }
0x1a1: {  	v12 =	vld [tilespmem:s23+$0xA800];
	s3 =	simm.s32 $0x16C00;
	s30 =	simm.s32 $0x2DE0;
	s9 =	simm.s32 $0x2DF0  }
0x1a2: {  	v11 =	vld [tilespmem:s24+$0xC850];
	s12 =	simm.s32 $0xB7C;
	s16 =	simm.s32 $0x2D80;
	s20 =	simm.s32 $0xB60;
	v1 =	vmul.f32 v7, v1  }
0x1a3: {  	s22 =	simm.s32 $0xB68;
	s1 =	sand.u32 $0x3000, s1;
	s3 =	sand.u32 $0xFFFFF000, s3;
	v7 =	vld [tilespmem:s25+$0xC860];
	v2 =	vmul.f32 v9, v2  }
0x1a4: {  	s2 =	sand.u32 $0x3000, s2;
	s9 =	sand.u32 $0x3000, s9;
	s8 =	ssub.s32 $0x0, s3;
	[tilespmem:s7+$0x10810] =	vst v1;
	v1 =	vmul.f32 v8, v3  }
0x1a5: {  	s12 =	sand.u32 $0x380, s12;
	s10 =	sadd.s32 $0x16F80, s8;
	s31 =	sadd.s32 $0x16C80, s8;
	[tilespmem:s5+$0x10820] =	vst v2;
	v2 =	vmul.f32 v10, v4  }
0x1a6: {  	s13 =	sadd.s32 $0x16D00, s8;
	s14 =	sadd.s32 $0x16D80, s8;
	s15 =	sadd.s32 $0x16E00, s8;
	v0 =	vmul.f32 v12, v0;
	[tilespmem:s6+$0x10830] =	vst v1  }
0x1a7: {  	s19 =	sadd.s32 $0x16E80, s8;
	s8 =	sadd.s32 $0x16F00, s8;
	s10 =	sand.u32 $0xFFFFFC00, s10;
	v1 =	vmul.f32 v11, v5;
	[tilespmem:s4+$0x10840] =	vst v2  }
0x1a8: {  	s7 =	sand.u32 $0x3000, s30;
	s8 =	sand.u32 $0xFFFFFC00, s8;
	s5 =	sand.u32 $0x3000, s26;
	v2 =	vmul.f32 v7, v6;
	[tilespmem:s23+$0xE800] =	vst v0  }
0x1a9: {  	s9 =	sadd.s32 s9, s10;
	s10 =	sand.u32 $0xFFFFFC00, s31;
	s7 =	sadd.s32 s7, s8;
	[tilespmem:s24+$0x10850] =	vst v1  }
0x1aa: {  	s31 =	simm.s32 $0xB78;
	s9 =	sor.u32 s12, s9;
	s1 =	sadd.s32 s1, s10;
	[tilespmem:s25+$0x10860] =	vst v2  }
0x1ab: {  	s12 =	sand.u32 $0xFFFFFC00, s13;
	s10 =	sand.u32 $0xFFFFFC00, s14;
	_ =	swait.ge [sflag:s0], $0x680  }
0x1ac: {  	s6 =	sand.u32 $0x3000, s29;
	s29 =	simm.s32 $0xB74;
	[sflag:s0] =	ssyncset.done $0x0  }
0x1ad: {  	s2 =	sadd.s32 s2, s12;
	s12 =	sand.u32 $0xFFFFFC00, s15;
	[sflag:s0] =	ssyncadd.s32 $0xFFFFF980  }
0x1ae: {  	s23 =	simm.s32 $0xB6C;
	s24 =	simm.s32 $0xB64;
	s12 =	sadd.s32 s5, s12;
	v5 =	vld [tilespmem:s18+$0x0]  }
0x1af: {  	s5 =	sand.u32 $0xFFFFFC00, s19;
	s30 =	sand.u32 $0x380, s23;
	s25 =	simm.s32 $0x2DB0;
	v6 =	vld [tilespmem:s9+$0xA870]  }
0x1b0: {  	s19 =	simm.s32 $0x0;
	s13 =	sadd.s32 s6, s5;
	s4 =	sand.u32 $0x3000, s25;
	v0 =	vld [tilespmem:s18+$0xFFFFFF90]  }
0x1b1: {  	s5 =	sand.u32 $0x380, s20;
	s4 =	sadd.s32 s4, s10;
	s10 =	sand.u32 $0xFFFFF000, s16;
	v2 =	vld [tilespmem:s18+$0xFFFFFFA0]  }
0x1b2: {  	s20 =	simm.s32 $0x2D8;
	s25 =	simm.s32 $0xB70;
	s21 =	sadd.s32 $0x16C00, s10;
	v3 =	vld [tilespmem:s18+$0xFFFFFFB0]  }
0x1b3: {  	s0 =	sand.u32 $0x380, s24;
	s24 =	sand.u32 $0x380, s22;
	s6 =	sor.u32 s30, s4;
	v4 =	vld [tilespmem:s18+$0xFFFFFFC0]  }
0x1b4: {  	s22 =	simm.s32 $0x0;
	s10 =	sadd.s32 s5, s21;
	s26 =	sor.u32 s0, s1;
	v1 =	vld [tilespmem:s18+$0xFFFFFFD0]  }
0x1b5: {  	s5 =	sor.u32 s24, s2;
	s0 =	sand.u32 $0x380, s25;
	s1 =	sand.u32 $0x380, s29;
	v7 =	vmul.f32 v6, v5;
	v5 =	vld [tilespmem:s18+$0xFFFFFFE0]  }
0x1b6: {  	s21 =	simm.s32 $0x16C00;
	s28 =	sor.u32 s0, s12;
	s0 =	sand.u32 $0x380, s31;
	v6 =	vld [tilespmem:s26+$0xA810]  }
0x1b7: {  	s25 =	sor.u32 s1, s13;
	s23 =	ssub.s32 s10, s3;
	s24 =	sor.u32 s0, s7;
	[tilespmem:s9+$0xE870] =	vst v7;
	v7 =	vld [tilespmem:s5+$0xA820]  }
.LBB2_20:
0x1b8: {  	s0 =	sadd.s32 $0x2E1, s22  }
0x1b9: {  	v8 =	vld [tilespmem:s6+$0xA830];
	s21 =	sadd.s32 $0x400, s21;
	s8 =	smov.u32 s22;
	s1 =	sadd.s32 $0x2E2, s22  }
0x1ba: {  	s2 =	sadd.s32 $0x2E3, s22;
	s3 =	sadd.s32 $0x2E4, s22;
	s7 =	sadd.s32 $0x2E5, s22;
	v9 =	vld [tilespmem:s28+$0xA840]  }
0x1bb: {  	s9 =	sadd.s32 $0x2E6, s22;
	s20 =	sadd.s32 $0x8, s20;
	s4 =	sshll.u32 s0, $0x2;
	v10 =	vld [tilespmem:s25+$0xA850]  }
0x1bc: {  	s10 =	sshll.u32 s1, $0x2;
	s12 =	sshll.u32 s2, $0x2;
	s13 =	sshll.u32 s3, $0x2;
	v2 =	vmul.f32 v6, v2;
	v6 =	vld [tilespmem:s24+$0xA860]  }
0x1bd: {  	s0 =	sshll.u32 s0, $0x4;
	s14 =	sshll.u32 s7, $0x2;
	s15 =	sshll.u32 s9, $0x2;
	v11 =	vld [tilespmem:s23+$0xA800];
	v3 =	vmul.f32 v7, v3  }
0x1be: {  	s1 =	sshll.u32 s1, $0x4;
	s2 =	sshll.u32 s2, $0x4;
	s16 =	sshll.u32 s3, $0x4;
	[tilespmem:s26+$0xE810] =	vst v2;
	v2 =	vmul.f32 v8, v4;
	v4 =	vld [tilespmem:s18+$0xFFFFFFF0]  }
0x1bf: {  	s30 =	sshll.u32 s7, $0x4;
	s31 =	sshll.u32 s9, $0x4;
	s26 =	sand.u32 $0x380, s4;
	[tilespmem:s5+$0xE820] =	vst v3;
	v1 =	vmul.f32 v9, v1  }
0x1c0: {  	s3 =	sand.u32 $0x380, s12;
	s4 =	sand.u32 $0x380, s13;
	s5 =	sand.u32 $0x380, s10;
	[tilespmem:s6+$0xE830] =	vst v2;
	v2 =	vmul.f32 v10, v5  }
0x1c1: {  	s7 =	sand.u32 $0x380, s14;
	s15 =	sand.u32 $0x380, s15;
	s6 =	sand.u32 $0x3000, s0;
	[tilespmem:s28+$0xE840] =	vst v1  }
0x1c2: {  	s29 =	sand.u32 $0x3000, s1;
	s9 =	sand.u32 $0x3000, s2;
	s28 =	sand.u32 $0x3000, s16;
	v0 =	vmul.f32 v11, v0;
	[tilespmem:s25+$0xE850] =	vst v2  }
0x1c3: {  	s22 =	sadd.s32 $0x8, s22;
	s25 =	sand.u32 $0x3000, s30;
	s30 =	sand.u32 $0x3000, s31;
	v1 =	vmul.f32 v6, v4  }
0x1c4: {  	s19 =	sadd.s32 $0x400, s19;
	s1 =	sshll.u32 s20, $0x4;
	s0 =	sshll.u32 s20, $0x7;
	[tilespmem:s23+$0xE800] =	vst v0  }
0x1c5: {  	p0 =	slt.u32 s22, $0x60;
	s2 =	sadd.s32 $0x2E7, s8;
	s23 =	sand.u32 $0xFFFFF000, s0;
	[tilespmem:s24+$0xE860] =	vst v1  }
0x1c6: {  	s18 =	sadd.s32 $0x80, s18;
	s0 =	sand.u32 $0xFFFFF000, s1;
	s1 =	ssub.s32 s19, s23  }
0x1c7: {  	s10 =	sshll.u32 s2, $0x4;
	s8 =	sadd.s32 $0x16C80, s1;
	s12 =	sadd.s32 $0x16F80, s1  }
0x1c8: {  	s2 =	sshll.u32 s2, $0x2;
	s10 =	sand.u32 $0x3000, s10;
	s12 =	sand.u32 $0xFFFFFC00, s12  }
0x1c9: {  	s2 =	sand.u32 $0x380, s2;
	s16 =	sshll.u32 s20, $0x2;
	s10 =	sadd.s32 s10, s12  }
0x1ca: {  	s13 =	sadd.s32 $0x16D80, s1;
	s12 =	sadd.s32 $0x16D00, s1;
	s2 =	sor.u32 s2, s10;
	v5 =	vld [tilespmem:s18+$0x0]  }
0x1cb: {  	s14 =	sadd.s32 $0x16E80, s1;
	s10 =	sadd.s32 $0x16E00, s1;
	s1 =	sadd.s32 $0x16F00, s1;
	v6 =	vld [tilespmem:s2+$0xA870]  }
0x1cc: {  	s16 =	sand.u32 $0x380, s16;
	s8 =	sand.u32 $0xFFFFFC00, s8;
	s12 =	sand.u32 $0xFFFFFC00, s12;
	v0 =	vld [tilespmem:s18+$0xFFFFFF90]  }
0x1cd: {  	s13 =	sand.u32 $0xFFFFFC00, s13;
	s14 =	sand.u32 $0xFFFFFC00, s14;
	s10 =	sand.u32 $0xFFFFFC00, s10;
	v2 =	vld [tilespmem:s18+$0xFFFFFFA0]  }
0x1ce: {  	s0 =	sadd.s32 s0, s21;
	s6 =	sadd.s32 s6, s8;
	s1 =	sand.u32 $0xFFFFFC00, s1;
	v3 =	vld [tilespmem:s18+$0xFFFFFFB0]  }
.Ltmp9:
0x1cf: {  	s9 =	sadd.s32 s9, s13;
	s8 =	sadd.s32 s29, s12;
	v4 =	vld [tilespmem:s18+$0xFFFFFFC0];
	(pc) =	sbr.rel @p0 .LBB2_20-.Ltmp9, $4  }
0x1d0: {  	s12 =	sadd.s32 s25, s14;
	s10 =	sadd.s32 s28, s10;
	s1 =	sadd.s32 s30, s1;
	v1 =	vld [tilespmem:s18+$0xFFFFFFD0];
	v7 =	vmul.f32 v6, v5  }
0x1d1: {  	s0 =	sadd.s32 s16, s0;
	s26 =	sor.u32 s26, s6;
	s5 =	sor.u32 s5, s8;
	v5 =	vld [tilespmem:s18+$0xFFFFFFE0]  }
0x1d2: {  	s6 =	sor.u32 s3, s9;
	s25 =	sor.u32 s7, s12;
	s28 =	sor.u32 s4, s10;
	v6 =	vld [tilespmem:s26+$0xA810];
	[tilespmem:s2+$0xE870] =	vst v7  }
0x1d3: {  	s23 =	ssub.s32 s0, s23;
	s24 =	sor.u32 s15, s1;
	v7 =	vld [tilespmem:s5+$0xA820]  }
0x1d4: {  	v8 =	vld [tilespmem:s6+$0xA830]  }
0x1d5: {  	v9 =	vld [tilespmem:s28+$0xA840]  }
0x1d6: {  	v10 =	vld [tilespmem:s25+$0xA850]  }
0x1d7: {  	v11 =	vld [tilespmem:s24+$0xA860]  }
0x1d8: {  	v59 =	vld [tilespmem:s23+$0xA800];
	v2 =	vmul.f32 v6, v2  }
0x1d9: {  	v60 =	vld [tilespmem:s18+$0xFFFFFFF0];
	v3 =	vmul.f32 v7, v3  }
0x1da: {  	[tilespmem:s26+$0xE810] =	vst v2;
	v61 =	vmul.f32 v8, v4  }
0x1db: {  	v1 =	vmul.f32 v9, v1;
	[tilespmem:s5+$0xE820] =	vst v3  }
0x1dc: {  	v62 =	vmul.f32 v10, v5;
	[tilespmem:s6+$0xE830] =	vst v61  }
0x1dd: {  	v0 =	vmul.f32 v59, v0;
	[tilespmem:s28+$0xE840] =	vst v1  }
0x1de: {  	v63 =	vmul.f32 v11, v60;
	[tilespmem:s25+$0xE850] =	vst v62  }
0x1df: {  	[tilespmem:s23+$0xE800] =	vst v0  }
0x1e0: {  	s10 =	simm.s32 $0x1000;
	s12 =	simm.s32 $0x20000;
	[tilespmem:s24+$0xE860] =	vst v63  }
0x1e1: {  	s1 =	simm.s32 $0xE800;
	s30 =	simm.s32 $0x9;
	s0 =	rddreg [dreg:$0x7]  }
0x1e2: {  	[hbm4b:s0+s10] =	stream.strided.scatter [tilespmem:s1], [sflag:$0x9], $0x4000, s12, s10, $0x38;
	[tilespmem:$0x12800] =	vst v63  }
0x1e3: {  	_ =	swait.ge [sflag:s30], $0x4000  }
0x1e4: {  	s17 =	sadd.s32 $0x1, s17;
	s31 =	rddreg [dreg:$0x8]  }
0x1e5: {  	p0 =	sne.s32 s17, s31  }
.Ltmp10:
0x1e6: {  	_ = 	snop;
	(pc) =	sbr.rel @p0 .LBB2_1-.Ltmp10, $4  }
0x1e7: {  	_ = 	snop  }
0x1e8: {  	[sflag:s30] =	ssyncset.done $0x0  }
0x1e9: {  	[sflag:s30] =	ssyncadd.s32 $0xFFFFC000  }
0x1ea: {  	s13 =	simm.s32 $0xA;
	s1 =	rddreg [dreg:$0x2]  }
0x1eb: {  	_ =	sfence.sel $0x180000  }
0x1ec: {  	[bflag:$0x0] =	sbarrier.arrive $0xFFFF  }
0x1ed: {  	_ =	strace $0x90000047  }
0x1ee: {  	s0 =	stileid.u32;
	[bflag:$0x2] =	sbarrier.arrive $0xFFFF  }
0x1ef: {  	p0 =	sne.s32 s0, $0x0;
	s0 =	rddreg [dreg:$0x4]  }
0x1f0: {  	s0 =	sadd.s32 @!p0 $0x100000, s0  }
0x1f1: {  	[sflag:s0] =	ssyncadd.tile.s32 @!p0 $0x1;
	_ =	shalt  }
.Lfunc_end2:
_tile_overlayer_lowered:
.L_overlay_start_2:
0x1f2: {  	(tag) =	ssettag $0x2  }
0x1f3: {  	s0 =	rddreg [dreg:$0x0];
	s2 =	stileid.u32  }
0x1f4: {  	s1 =	rddreg [dreg:$0x1];
	p0 =	sne.s32 s2, $0x0  }
0x1f5: {  	s3 =	rddreg [dreg:$0x2];
	[bflag:$0x3] =	sbarrier.arrive $0xFFFF;
	s2 =	simm.s32 @!p0 $0x1C0A  }
0x1f6: {  	[timem:s3], [sflag:s2] =	dma.local @!p0 [hbm:s0], s1  }
0x1f7: {  	s0 =	simm.s32 @!p0 $0xA  }
0x1f8: {  	_ =	swait.ge @!p0 [sflag:s0], s1  }
0x1f9: {  	s1 =	ssub.s32 @!p0 $0x0, s1;
	[sflag:s0] =	ssyncset.done @!p0 $0x0  }
0x1fa: {  	[sflag:s0] =	ssyncadd.s32 @!p0 s1  }
0x1fb: {  	[bflag:$0x3] =	sbarrier.arrive $0xFFFF  }
0x1fc: {  	_ =	shalt  }

</sc_bundles>
